<compile_context>
chip_gen: v7x
topology: tpu7x:2x2x1
jax: 0.10.2.dev20260603
libtpu: 0.0.44.dev20260713+nightly
codegen_flags: <defaults>
</compile_context>

<pallas_src>
import jax
import jax.numpy as jnp
from jax import lax
from jax.experimental import pallas as pl
from jax.experimental.pallas import tpu as pltpu
from jax.experimental.pallas import tpu_sc as plsc

N_TOKENS = 8192
D = 2048
E = 64
K = 8

ROW_BLOCK = 1024

NC, NS = 2, 16
NW = NC * NS
ROWS_PER_TILE = N_TOKENS // NW



def _matmul_body(x_ref, w_ref, o_ref):
    o_ref[...] = jnp.dot(x_ref[...], w_ref[...],
                         preferred_element_type=jnp.float32)


def _logits(x, w):
    return pl.pallas_call(
        _matmul_body,
        grid=(N_TOKENS // ROW_BLOCK,),
        in_specs=[
            pl.BlockSpec((ROW_BLOCK, D), lambda i: (i, 0)),
            pl.BlockSpec((D, E), lambda i: (0, 0)),
        ],
        out_specs=pl.BlockSpec((ROW_BLOCK, E), lambda i: (i, 0)),
        out_shape=jax.ShapeDtypeStruct((N_TOKENS, E), jnp.float32),
        compiler_params=pltpu.CompilerParams(
            dimension_semantics=("arbitrary",),
        ),
    )(x, w)



_GATHER_DN = lax.GatherDimensionNumbers(
    offset_dims=(), collapsed_slice_dims=(0,), start_index_map=(0,))


def _take(x, idx):
    return lax.gather(x, idx[:, None], _GATHER_DN, slice_sizes=(1,),
                      mode=lax.GatherScatterMode.PROMISE_IN_BOUNDS)


def _topk_body(logits_hbm, w_hbm, i_hbm, lg_v, wout_v, iout_v, wsem, isem):
    wid = lax.axis_index("s") * NC + lax.axis_index("c")
    base = wid * ROWS_PER_TILE
    pltpu.sync_copy(logits_hbm.at[pl.ds(base, ROWS_PER_TILE)], lg_v)

    lane = lax.iota(jnp.int32, 16)
    lo8 = lane < 8
    rot4 = (lane + 4) % 8
    rot2 = (lane + 2) % 8
    rot1 = (lane + 1) % 8
    kbase = lane * ROWS_PER_TILE

    @plsc.parallel_loop(0, ROWS_PER_TILE, unroll=6)
    def row(r):
        def srt(j, descending):
            k = lg_v[r, pl.ds(j * 16, 16)]
            v = lane + (j * 16)
            return plsc.sort_key_val(k, v, descending=descending)

        k0, v0 = srt(0, True)
        k1, v1 = srt(1, False)
        k2, v2 = srt(2, True)
        k3, v3 = srt(3, False)
        m01k = jnp.where(lo8, k0, k1)
        m01v = jnp.where(lo8, v0, v1)
        m23k = jnp.where(lo8, k2, k3)
        m23v = jnp.where(lo8, v2, v3)
        t01k, t01v = plsc.sort_key_val(m01k, m01v, descending=True)
        t23k, t23v = plsc.sort_key_val(m23k, m23v, descending=False)
        fk_in = jnp.where(lo8, t01k, t23k)
        fv_in = jnp.where(lo8, t01v, t23v)
        fk, fv = plsc.sort_key_val(fk_in, fv_in, descending=True)

        sq = fk * fk
        s = sq + _take(sq, rot4)
        s = s + _take(s, rot2)
        s = s + _take(s, rot1)
        bits = plsc.bitcast(s, jnp.int32)
        y = plsc.bitcast(jnp.int32(0x5F3759DF) - (bits >> 1), jnp.float32)
        half = s * 0.5
        y = y * (1.5 - half * y * y)
        y = y * (1.5 - half * y * y)
        y = y * (1.5 - half * y * y)
        wn = fk * y

        idx = kbase + r
        plsc.store_scatter(wout_v, [idx], wn, mask=lo8)
        plsc.store_scatter(iout_v, [idx], fv, mask=lo8)

    cps = []
    for k in range(K):
        seg = pl.ds(k * ROWS_PER_TILE, ROWS_PER_TILE)
        cps.append(pltpu.make_async_copy(
            wout_v.at[seg], w_hbm.at[k, pl.ds(base, ROWS_PER_TILE)], wsem))
        cps.append(pltpu.make_async_copy(
            iout_v.at[seg], i_hbm.at[k, pl.ds(base, ROWS_PER_TILE)], isem))
    for cp in cps:
        cp.start()
    for cp in cps:
        cp.wait()


def _topk(logits):
    mesh = plsc.VectorSubcoreMesh(core_axis_name="c", subcore_axis_name="s",
                                  num_cores=NC, num_subcores=NS)
    f = pl.kernel(
        _topk_body,
        out_type=(
            jax.ShapeDtypeStruct((K, N_TOKENS), jnp.float32),
            jax.ShapeDtypeStruct((K, N_TOKENS), jnp.int32),
        ),
        mesh=mesh,
        scratch_types=[
            pltpu.VMEM((ROWS_PER_TILE, E), jnp.float32),
            pltpu.VMEM((ROWS_PER_TILE * K,), jnp.float32),
            pltpu.VMEM((ROWS_PER_TILE * K,), jnp.int32),
            pltpu.SemaphoreType.DMA,
            pltpu.SemaphoreType.DMA,
        ],
        compiler_params=pltpu.CompilerParams(needs_layout_passes=False),
    )
    return f(logits)


def kernel(x, W_router):
    logits = _logits(x, W_router)
    w_t, i_t = _topk(logits)
    return (logits, w_t.T, i_t.T)

# --- scband reference (transcript-rebuilt; emitter-appended) ---
"""Pipeline reference for scband-mo-erouter-25718264168638 (READ-ONLY COPY).

The authoritative reference and input builder live on the scoring server;
editing this copy changes nothing except your own understanding.
"""

import jax, jax.numpy as jnp
import numpy as np

D_MODEL = 2048
NUM_EXPERTS = 64
TOP_K = 8
NORM_P = 2.0


def setup_inputs(seed: int = 0) -> dict:
    key = jax.random.key(seed)
    k1, k2 = jax.random.split(key)
    x = jax.random.normal(k1, (8192, D_MODEL), dtype=jnp.float32)
    # Router is a linear projection d_model -> num_experts (concrete get_expert_logits)
    W_router = jax.random.normal(k2, (D_MODEL, NUM_EXPERTS), dtype=jnp.float32) * 0.02
    return {"x": x, "W_router": W_router}


def reference(x, W_router):
    # jitter is identity: jitter_eps is None / eval mode
    logits = x.reshape(-1, D_MODEL) @ W_router  # (N, num_experts)
    # top_k > 1 path
    expert_weights, expert_indices = jax.lax.top_k(logits, TOP_K)
    # normalize_expert_weights = 2.0 -> divide by L2 norm along last dim
    norm = jnp.sum(jnp.abs(expert_weights) ** NORM_P, axis=-1, keepdims=True) ** (1.0 / NORM_P)
    expert_weights = expert_weights / norm
    # uniform_expert_assignment is False -> keep topk indices
    return logits, expert_weights, expert_indices

if __name__ == "__main__":
    import jax
    _d = setup_inputs()
    print(jax.jit(kernel)(*tuple(_d.values())))

</pallas_src>

<mosaic_0001>
#map = affine_map<(d0, d1) -> (0, 0)>
module attributes {stable_mosaic.version = 14 : i64} {
  func.func @_topk_body(%arg0: i32, %arg1: i32, %arg2: memref<8192x64xf32, #tpu.memory_space<hbm>>, %arg3: memref<8x8192xf32, #tpu.memory_space<hbm>>, %arg4: memref<8x8192xi32, #tpu.memory_space<hbm>>, %arg5: memref<256x64xf32, #tpu.memory_space<vmem>>, %arg6: memref<2048xf32, #tpu.memory_space<vmem>>, %arg7: memref<2048xi32, #tpu.memory_space<vmem>>, %arg8: memref<!tpu.dma_semaphore, #tpu.memory_space<semaphore_mem>>, %arg9: memref<!tpu.dma_semaphore, #tpu.memory_space<semaphore_mem>>) attributes {dimension_semantics = [#tpu.dimension_semantics<core_parallel>, #tpu.dimension_semantics<subcore_parallel>], iteration_bounds = array<i64: 2, 16>, scalar_prefetch = 0 : i64, scratch_operands = 5 : i64, tpu.core_type = #tpu.core_type<sc_vector_subcore>, window_params = [{transform_indices = #map}, {transform_indices = #map}, {transform_indices = #map}]} {
    %mul3A = arith.constant 2 : i32
    %mul3A_0 = arith.muli %arg1, %mul3A : i32
    %add3A = arith.addi %mul3A_0, %arg0 : i32
    %mul3A_1 = arith.constant 256 : i32
    %mul3A_2 = arith.muli %add3A, %mul3A_1 : i32
    "tpu.region"() ({
      %run_scoped3A = tpu.sem_alloc : memref<!tpu.dma_semaphore, #tpu.memory_space<semaphore_mem>>
      %dma_start3A_365 = arith.constant 0 : i32
      %dma_start3A_366 = tpu.memref_slice %arg2[%mul3A_2, %dma_start3A_365] : memref<8192x64xf32, #tpu.memory_space<hbm>> -> memref<256x64xf32, #tpu.memory_space<hbm>>
      %dma_start3A_367 = arith.constant 0 : i32
      %dma_start3A_368 = tpu.memref_slice %arg2[%mul3A_2, %dma_start3A_367] : memref<8192x64xf32, #tpu.memory_space<hbm>> -> memref<256x64xf32, #tpu.memory_space<hbm>>
      tpu.enqueue_dma source(%dma_start3A_368 : memref<256x64xf32, #tpu.memory_space<hbm>>) target(%arg5 : memref<256x64xf32, #tpu.memory_space<vmem>>) target_semaphore(%run_scoped3A : memref<!tpu.dma_semaphore, #tpu.memory_space<semaphore_mem>>)
      %dma_wait3A_369 = arith.constant 0 : i32
      %dma_wait3A_370 = tpu.memref_slice %arg2[%mul3A_2, %dma_wait3A_369] : memref<8192x64xf32, #tpu.memory_space<hbm>> -> memref<256x64xf32, #tpu.memory_space<hbm>>
      %dma_wait3A_371 = arith.constant 0 : i32
      %dma_wait3A_372 = tpu.memref_slice %arg2[%mul3A_2, %dma_wait3A_371] : memref<8192x64xf32, #tpu.memory_space<hbm>> -> memref<256x64xf32, #tpu.memory_space<hbm>>
      tpu.wait_dma2 semaphore(%run_scoped3A : memref<!tpu.dma_semaphore, #tpu.memory_space<semaphore_mem>>) src(%dma_wait3A_372 : memref<256x64xf32, #tpu.memory_space<hbm>>) dst(%arg5 : memref<256x64xf32, #tpu.memory_space<vmem>>)
      tpu.yield
    }) : () -> ()
    %iota3A = tpu.iota {dimensions = array<i32: 0>} : vector<16xi32>
    %lt3A = arith.constant 8 : i32
    %lt3A_3 = vector.broadcast %lt3A : i32 to vector<16xi32>
    %lt3A_4 = arith.cmpi slt, %iota3A, %lt3A_3 : vector<16xi32>
    %add3A_5 = arith.constant 4 : i32
    %add3A_6 = vector.broadcast %add3A_5 : i32 to vector<16xi32>
    %add3A_7 = arith.addi %iota3A, %add3A_6 : vector<16xi32>
    %jit3A = arith.constant 8 : i32
    %eq3A = arith.constant 0 : i32
    %eq3A_8 = arith.cmpi eq, %jit3A, %eq3A : i32
    %jit3A_9 = arith.constant 1 : i32
    %select_n3A = arith.select %eq3A_8, %jit3A_9, %jit3A : i32
    %rem3A = vector.broadcast %select_n3A : i32 to vector<16xi32>
    %rem3A_10 = arith.remsi %add3A_7, %rem3A : vector<16xi32>
    %ne3A = arith.constant 0 : i32
    %ne3A_11 = vector.broadcast %ne3A : i32 to vector<16xi32>
    %ne3A_12 = arith.cmpi ne, %rem3A_10, %ne3A_11 : vector<16xi32>
    %lt3A_13 = arith.constant 0 : i32
    %lt3A_14 = vector.broadcast %lt3A_13 : i32 to vector<16xi32>
    %lt3A_15 = arith.cmpi slt, %rem3A_10, %lt3A_14 : vector<16xi32>
    %lt3A_16 = arith.constant 0 : i32
    %lt3A_17 = arith.cmpi slt, %select_n3A, %lt3A_16 : i32
    %ne3A_18 = vector.broadcast %lt3A_17 : i1 to vector<16xi1>
    %ne3A_19 = vector.broadcast %ne3A_18 : vector<16xi1> to vector<16xi1>
    %ne3A_20 = arith.xori %lt3A_15, %ne3A_19 : vector<16xi1>
    %and3A = arith.andi %ne3A_20, %ne3A_12 : vector<16xi1>
    %add3A_21 = vector.broadcast %select_n3A : i32 to vector<16xi32>
    %add3A_22 = arith.addi %rem3A_10, %add3A_21 : vector<16xi32>
    %select_n3A_23 = arith.select %and3A, %add3A_22, %rem3A_10 : vector<16xi1>, vector<16xi32>
    %add3A_24 = arith.constant 2 : i32
    %add3A_25 = vector.broadcast %add3A_24 : i32 to vector<16xi32>
    %add3A_26 = arith.addi %iota3A, %add3A_25 : vector<16xi32>
    %jit3A_27 = arith.constant 8 : i32
    %eq3A_28 = arith.constant 0 : i32
    %eq3A_29 = arith.cmpi eq, %jit3A_27, %eq3A_28 : i32
    %jit3A_30 = arith.constant 1 : i32
    %select_n3A_31 = arith.select %eq3A_29, %jit3A_30, %jit3A_27 : i32
    %rem3A_32 = vector.broadcast %select_n3A_31 : i32 to vector<16xi32>
    %rem3A_33 = arith.remsi %add3A_26, %rem3A_32 : vector<16xi32>
    %ne3A_34 = arith.constant 0 : i32
    %ne3A_35 = vector.broadcast %ne3A_34 : i32 to vector<16xi32>
    %ne3A_36 = arith.cmpi ne, %rem3A_33, %ne3A_35 : vector<16xi32>
    %lt3A_37 = arith.constant 0 : i32
    %lt3A_38 = vector.broadcast %lt3A_37 : i32 to vector<16xi32>
    %lt3A_39 = arith.cmpi slt, %rem3A_33, %lt3A_38 : vector<16xi32>
    %lt3A_40 = arith.constant 0 : i32
    %lt3A_41 = arith.cmpi slt, %select_n3A_31, %lt3A_40 : i32
    %ne3A_42 = vector.broadcast %lt3A_41 : i1 to vector<16xi1>
    %ne3A_43 = vector.broadcast %ne3A_42 : vector<16xi1> to vector<16xi1>
    %ne3A_44 = arith.xori %lt3A_39, %ne3A_43 : vector<16xi1>
    %and3A_45 = arith.andi %ne3A_44, %ne3A_36 : vector<16xi1>
    %add3A_46 = vector.broadcast %select_n3A_31 : i32 to vector<16xi32>
    %add3A_47 = arith.addi %rem3A_33, %add3A_46 : vector<16xi32>
    %select_n3A_48 = arith.select %and3A_45, %add3A_47, %rem3A_33 : vector<16xi1>, vector<16xi32>
    %add3A_49 = arith.constant 1 : i32
    %add3A_50 = vector.broadcast %add3A_49 : i32 to vector<16xi32>
    %add3A_51 = arith.addi %iota3A, %add3A_50 : vector<16xi32>
    %jit3A_52 = arith.constant 8 : i32
    %eq3A_53 = arith.constant 0 : i32
    %eq3A_54 = arith.cmpi eq, %jit3A_52, %eq3A_53 : i32
    %jit3A_55 = arith.constant 1 : i32
    %select_n3A_56 = arith.select %eq3A_54, %jit3A_55, %jit3A_52 : i32
    %rem3A_57 = vector.broadcast %select_n3A_56 : i32 to vector<16xi32>
    %rem3A_58 = arith.remsi %add3A_51, %rem3A_57 : vector<16xi32>
    %ne3A_59 = arith.constant 0 : i32
    %ne3A_60 = vector.broadcast %ne3A_59 : i32 to vector<16xi32>
    %ne3A_61 = arith.cmpi ne, %rem3A_58, %ne3A_60 : vector<16xi32>
    %lt3A_62 = arith.constant 0 : i32
    %lt3A_63 = vector.broadcast %lt3A_62 : i32 to vector<16xi32>
    %lt3A_64 = arith.cmpi slt, %rem3A_58, %lt3A_63 : vector<16xi32>
    %lt3A_65 = arith.constant 0 : i32
    %lt3A_66 = arith.cmpi slt, %select_n3A_56, %lt3A_65 : i32
    %ne3A_67 = vector.broadcast %lt3A_66 : i1 to vector<16xi1>
    %ne3A_68 = vector.broadcast %ne3A_67 : vector<16xi1> to vector<16xi1>
    %ne3A_69 = arith.xori %lt3A_64, %ne3A_68 : vector<16xi1>
    %and3A_70 = arith.andi %ne3A_69, %ne3A_61 : vector<16xi1>
    %add3A_71 = vector.broadcast %select_n3A_56 : i32 to vector<16xi32>
    %add3A_72 = arith.addi %rem3A_58, %add3A_71 : vector<16xi32>
    %select_n3A_73 = arith.select %and3A_70, %add3A_72, %rem3A_58 : vector<16xi1>, vector<16xi32>
    %mul3A_74 = arith.constant 256 : i32
    %mul3A_75 = vector.broadcast %mul3A_74 : i32 to vector<16xi32>
    %mul3A_76 = arith.muli %iota3A, %mul3A_75 : vector<16xi32>
    %parallel_loop3A = arith.constant 0 : i32
    %parallel_loop3A_77 = arith.constant 256 : i32
    %parallel_loop3A_78 = arith.constant 1 : i32
    scf.for %parallel_loop3A_365 = %parallel_loop3A to %parallel_loop3A_77 step %parallel_loop3A_78  : i32 {
      %parallel_loop3A_366 = arith.index_cast %parallel_loop3A_365 : i32 to index
      %parallel_loop3A_367 = arith.constant 0 : index
      %parallel_loop3A_368 = tpu.vector_load %arg5[%parallel_loop3A_366, %parallel_loop3A_367] {strides = array<i32>} : memref<256x64xf32, #tpu.memory_space<vmem>>, vector<16xf32>,
      %parallel_loop3A_369 = arith.constant 0 : i32
      %parallel_loop3A_370 = vector.broadcast %parallel_loop3A_369 : i32 to vector<16xi32>
      %parallel_loop3A_371 = arith.addi %iota3A, %parallel_loop3A_370 : vector<16xi32>
      %parallel_loop3A_372 = arith.constant dense<true> : vector<16xi1>
      %parallel_loop3A_373, %parallel_loop3A_374, %parallel_loop3A_375 = tpu.sort %parallel_loop3A_368, %parallel_loop3A_371 masked %parallel_loop3A_372 {descending = true} : (vector<16xf32>, vector<16xi32>, vector<16xi1>) -> (vector<16xi1>, vector<16xf32>, vector<16xi32>)
      %parallel_loop3A_376 = arith.index_cast %parallel_loop3A_365 : i32 to index
      %parallel_loop3A_377 = arith.constant 16 : index
      %parallel_loop3A_378 = tpu.vector_load %arg5[%parallel_loop3A_376, %parallel_loop3A_377] {strides = array<i32>} : memref<256x64xf32, #tpu.memory_space<vmem>>, vector<16xf32>,
      %parallel_loop3A_379 = arith.constant 16 : i32
      %parallel_loop3A_380 = vector.broadcast %parallel_loop3A_379 : i32 to vector<16xi32>
      %parallel_loop3A_381 = arith.addi %iota3A, %parallel_loop3A_380 : vector<16xi32>
      %parallel_loop3A_382 = arith.constant dense<true> : vector<16xi1>
      %parallel_loop3A_383, %parallel_loop3A_384, %parallel_loop3A_385 = tpu.sort %parallel_loop3A_378, %parallel_loop3A_381 masked %parallel_loop3A_382 : (vector<16xf32>, vector<16xi32>, vector<16xi1>) -> (vector<16xi1>, vector<16xf32>, vector<16xi32>)
      %parallel_loop3A_386 = arith.index_cast %parallel_loop3A_365 : i32 to index
      %parallel_loop3A_387 = arith.constant 32 : index
      %parallel_loop3A_388 = tpu.vector_load %arg5[%parallel_loop3A_386, %parallel_loop3A_387] {strides = array<i32>} : memref<256x64xf32, #tpu.memory_space<vmem>>, vector<16xf32>,
      %parallel_loop3A_389 = arith.constant 32 : i32
      %parallel_loop3A_390 = vector.broadcast %parallel_loop3A_389 : i32 to vector<16xi32>
      %parallel_loop3A_391 = arith.addi %iota3A, %parallel_loop3A_390 : vector<16xi32>
      %parallel_loop3A_392 = arith.constant dense<true> : vector<16xi1>
      %parallel_loop3A_393, %parallel_loop3A_394, %parallel_loop3A_395 = tpu.sort %parallel_loop3A_388, %parallel_loop3A_391 masked %parallel_loop3A_392 {descending = true} : (vector<16xf32>, vector<16xi32>, vector<16xi1>) -> (vector<16xi1>, vector<16xf32>, vector<16xi32>)
      %parallel_loop3A_396 = arith.index_cast %parallel_loop3A_365 : i32 to index
      %parallel_loop3A_397 = arith.constant 48 : index
      %parallel_loop3A_398 = tpu.vector_load %arg5[%parallel_loop3A_396, %parallel_loop3A_397] {strides = array<i32>} : memref<256x64xf32, #tpu.memory_space<vmem>>, vector<16xf32>,
      %parallel_loop3A_399 = arith.constant 48 : i32
      %parallel_loop3A_400 = vector.broadcast %parallel_loop3A_399 : i32 to vector<16xi32>
      %parallel_loop3A_401 = arith.addi %iota3A, %parallel_loop3A_400 : vector<16xi32>
      %parallel_loop3A_402 = arith.constant dense<true> : vector<16xi1>
      %parallel_loop3A_403, %parallel_loop3A_404, %parallel_loop3A_405 = tpu.sort %parallel_loop3A_398, %parallel_loop3A_401 masked %parallel_loop3A_402 : (vector<16xf32>, vector<16xi32>, vector<16xi1>) -> (vector<16xi1>, vector<16xf32>, vector<16xi32>)
      %parallel_loop3A_406 = arith.select %lt3A_4, %parallel_loop3A_374, %parallel_loop3A_384 : vector<16xi1>, vector<16xf32>
      %parallel_loop3A_407 = arith.select %lt3A_4, %parallel_loop3A_375, %parallel_loop3A_385 : vector<16xi1>, vector<16xi32>
      %parallel_loop3A_408 = arith.select %lt3A_4, %parallel_loop3A_394, %parallel_loop3A_404 : vector<16xi1>, vector<16xf32>
      %parallel_loop3A_409 = arith.select %lt3A_4, %parallel_loop3A_395, %parallel_loop3A_405 : vector<16xi1>, vector<16xi32>
      %parallel_loop3A_410 = arith.constant dense<true> : vector<16xi1>
      %parallel_loop3A_411, %parallel_loop3A_412, %parallel_loop3A_413 = tpu.sort %parallel_loop3A_406, %parallel_loop3A_407 masked %parallel_loop3A_410 {descending = true} : (vector<16xf32>, vector<16xi32>, vector<16xi1>) -> (vector<16xi1>, vector<16xf32>, vector<16xi32>)
      %parallel_loop3A_414 = arith.constant dense<true> : vector<16xi1>
      %parallel_loop3A_415, %parallel_loop3A_416, %parallel_loop3A_417 = tpu.sort %parallel_loop3A_408, %parallel_loop3A_409 masked %parallel_loop3A_414 : (vector<16xf32>, vector<16xi32>, vector<16xi1>) -> (vector<16xi1>, vector<16xf32>, vector<16xi32>)
      %parallel_loop3A_418 = arith.select %lt3A_4, %parallel_loop3A_412, %parallel_loop3A_416 : vector<16xi1>, vector<16xf32>
      %parallel_loop3A_419 = arith.select %lt3A_4, %parallel_loop3A_413, %parallel_loop3A_417 : vector<16xi1>, vector<16xi32>
      %parallel_loop3A_420 = arith.constant dense<true> : vector<16xi1>
      %parallel_loop3A_421, %parallel_loop3A_422, %parallel_loop3A_423 = tpu.sort %parallel_loop3A_418, %parallel_loop3A_419 masked %parallel_loop3A_420 {descending = true} : (vector<16xf32>, vector<16xi32>, vector<16xi1>) -> (vector<16xi1>, vector<16xf32>, vector<16xi32>)
      %parallel_loop3A_424 = arith.mulf %parallel_loop3A_422, %parallel_loop3A_422 : vector<16xf32>
      %parallel_loop3A_425 = vector.shape_cast %select_n3A_23 : vector<16xi32> to vector<16x1xi32>
      %parallel_loop3A_426 = vector.shape_cast %parallel_loop3A_425 : vector<16x1xi32> to vector<16xi32>
      %parallel_loop3A_427 = tpu.dynamic_gather %parallel_loop3A_424[%parallel_loop3A_426] in [0] : vector<16xf32>, vector<16xi32> -> vector<16xf32>
      %parallel_loop3A_428 = arith.addf %parallel_loop3A_424, %parallel_loop3A_427 : vector<16xf32>
      %parallel_loop3A_429 = vector.shape_cast %select_n3A_48 : vector<16xi32> to vector<16x1xi32>
      %parallel_loop3A_430 = vector.shape_cast %parallel_loop3A_429 : vector<16x1xi32> to vector<16xi32>
      %parallel_loop3A_431 = tpu.dynamic_gather %parallel_loop3A_428[%parallel_loop3A_430] in [0] : vector<16xf32>, vector<16xi32> -> vector<16xf32>
      %parallel_loop3A_432 = arith.addf %parallel_loop3A_428, %parallel_loop3A_431 : vector<16xf32>
      %parallel_loop3A_433 = vector.shape_cast %select_n3A_73 : vector<16xi32> to vector<16x1xi32>
      %parallel_loop3A_434 = vector.shape_cast %parallel_loop3A_433 : vector<16x1xi32> to vector<16xi32>
      %parallel_loop3A_435 = tpu.dynamic_gather %parallel_loop3A_432[%parallel_loop3A_434] in [0] : vector<16xf32>, vector<16xi32> -> vector<16xf32>
      %parallel_loop3A_436 = arith.addf %parallel_loop3A_432, %parallel_loop3A_435 : vector<16xf32>
      %parallel_loop3A_437 = vector.bitcast %parallel_loop3A_436 : vector<16xf32> to vector<16xi32>
      %parallel_loop3A_438 = arith.constant 1 : i32
      %parallel_loop3A_439 = vector.broadcast %parallel_loop3A_438 : i32 to vector<16xi32>
      %parallel_loop3A_440 = arith.shrsi %parallel_loop3A_437, %parallel_loop3A_439 : vector<16xi32>
      %parallel_loop3A_441 = arith.constant 1597463007 : i32
      %parallel_loop3A_442 = vector.broadcast %parallel_loop3A_441 : i32 to vector<16xi32>
      %parallel_loop3A_443 = arith.subi %parallel_loop3A_442, %parallel_loop3A_440 : vector<16xi32>
      %parallel_loop3A_444 = vector.bitcast %parallel_loop3A_443 : vector<16xi32> to vector<16xf32>
      %parallel_loop3A_445 = arith.constant 5.000000e-01 : f32
      %parallel_loop3A_446 = vector.broadcast %parallel_loop3A_445 : f32 to vector<16xf32>
      %parallel_loop3A_447 = arith.mulf %parallel_loop3A_436, %parallel_loop3A_446 : vector<16xf32>
      %parallel_loop3A_448 = arith.mulf %parallel_loop3A_447, %parallel_loop3A_444 : vector<16xf32>
      %parallel_loop3A_449 = arith.mulf %parallel_loop3A_448, %parallel_loop3A_444 : vector<16xf32>
      %parallel_loop3A_450 = arith.constant 1.500000e+00 : f32
      %parallel_loop3A_451 = vector.broadcast %parallel_loop3A_450 : f32 to vector<16xf32>
      %parallel_loop3A_452 = arith.subf %parallel_loop3A_451, %parallel_loop3A_449 : vector<16xf32>
      %parallel_loop3A_453 = arith.mulf %parallel_loop3A_444, %parallel_loop3A_452 : vector<16xf32>
      %parallel_loop3A_454 = arith.mulf %parallel_loop3A_447, %parallel_loop3A_453 : vector<16xf32>
      %parallel_loop3A_455 = arith.mulf %parallel_loop3A_454, %parallel_loop3A_453 : vector<16xf32>
      %parallel_loop3A_456 = arith.constant 1.500000e+00 : f32
      %parallel_loop3A_457 = vector.broadcast %parallel_loop3A_456 : f32 to vector<16xf32>
      %parallel_loop3A_458 = arith.subf %parallel_loop3A_457, %parallel_loop3A_455 : vector<16xf32>
      %parallel_loop3A_459 = arith.mulf %parallel_loop3A_453, %parallel_loop3A_458 : vector<16xf32>
      %parallel_loop3A_460 = arith.mulf %parallel_loop3A_447, %parallel_loop3A_459 : vector<16xf32>
      %parallel_loop3A_461 = arith.mulf %parallel_loop3A_460, %parallel_loop3A_459 : vector<16xf32>
      %parallel_loop3A_462 = arith.constant 1.500000e+00 : f32
      %parallel_loop3A_463 = vector.broadcast %parallel_loop3A_462 : f32 to vector<16xf32>
      %parallel_loop3A_464 = arith.subf %parallel_loop3A_463, %parallel_loop3A_461 : vector<16xf32>
      %parallel_loop3A_465 = arith.mulf %parallel_loop3A_459, %parallel_loop3A_464 : vector<16xf32>
      %parallel_loop3A_466 = arith.mulf %parallel_loop3A_422, %parallel_loop3A_465 : vector<16xf32>
      %parallel_loop3A_467 = vector.broadcast %parallel_loop3A_365 : i32 to vector<16xi32>
      %parallel_loop3A_468 = arith.addi %mul3A_76, %parallel_loop3A_467 : vector<16xi32>
      tpu.vector_store_idx %arg6[%parallel_loop3A_468], %parallel_loop3A_466 masked %lt3A_4 : memref<2048xf32, #tpu.memory_space<vmem>>[vector<16xi32>], vector<16xf32>, vector<16xi1>
      tpu.vector_store_idx %arg7[%parallel_loop3A_468], %parallel_loop3A_423 masked %lt3A_4 : memref<2048xi32, #tpu.memory_space<vmem>>[vector<16xi32>], vector<16xi32>, vector<16xi1>
    } {sc.loop_unroll_factor = 6 : i64, sc.parallel_access}
    %dma_start3A = arith.constant 0 : i32
    %dma_start3A_79 = arith.constant 0 : i32
    %dma_start3A_80 = tpu.memref_slice %arg6[%dma_start3A_79] : memref<2048xf32, #tpu.memory_space<vmem>> -> memref<256xf32, #tpu.memory_space<vmem>>
    %dma_start3A_81 = tpu.memref_slice %arg3[%dma_start3A, %mul3A_2] : memref<8x8192xf32, #tpu.memory_space<hbm>> -> memref<1x256xf32, #tpu.memory_space<hbm>>
    %dma_start3A_82 = tpu.memref_squeeze %dma_start3A_81 : memref<1x256xf32, #tpu.memory_space<hbm>> -> memref<256xf32, #tpu.memory_space<hbm>>
    %dma_start3A_83 = tpu.memref_slice %arg3[%dma_start3A, %mul3A_2] : memref<8x8192xf32, #tpu.memory_space<hbm>> -> memref<1x256xf32, #tpu.memory_space<hbm>>
    %dma_start3A_84 = tpu.memref_squeeze %dma_start3A_83 : memref<1x256xf32, #tpu.memory_space<hbm>> -> memref<256xf32, #tpu.memory_space<hbm>>
    %dma_start3A_85 = arith.constant 0 : i32
    %dma_start3A_86 = tpu.memref_slice %arg6[%dma_start3A_85] : memref<2048xf32, #tpu.memory_space<vmem>> -> memref<256xf32, #tpu.memory_space<vmem>>
    tpu.enqueue_dma source(%dma_start3A_86 : memref<256xf32, #tpu.memory_space<vmem>>) target(%dma_start3A_84 : memref<256xf32, #tpu.memory_space<hbm>>) target_semaphore(%arg8 : memref<!tpu.dma_semaphore, #tpu.memory_space<semaphore_mem>>)
    %dma_start3A_87 = arith.constant 0 : i32
    %dma_start3A_88 = arith.constant 0 : i32
    %dma_start3A_89 = tpu.memref_slice %arg7[%dma_start3A_88] : memref<2048xi32, #tpu.memory_space<vmem>> -> memref<256xi32, #tpu.memory_space<vmem>>
    %dma_start3A_90 = tpu.memref_slice %arg4[%dma_start3A_87, %mul3A_2] : memref<8x8192xi32, #tpu.memory_space<hbm>> -> memref<1x256xi32, #tpu.memory_space<hbm>>
    %dma_start3A_91 = tpu.memref_squeeze %dma_start3A_90 : memref<1x256xi32, #tpu.memory_space<hbm>> -> memref<256xi32, #tpu.memory_space<hbm>>
    %dma_start3A_92 = tpu.memref_slice %arg4[%dma_start3A_87, %mul3A_2] : memref<8x8192xi32, #tpu.memory_space<hbm>> -> memref<1x256xi32, #tpu.memory_space<hbm>>
    %dma_start3A_93 = tpu.memref_squeeze %dma_start3A_92 : memref<1x256xi32, #tpu.memory_space<hbm>> -> memref<256xi32, #tpu.memory_space<hbm>>
    %dma_start3A_94 = arith.constant 0 : i32
    %dma_start3A_95 = tpu.memref_slice %arg7[%dma_start3A_94] : memref<2048xi32, #tpu.memory_space<vmem>> -> memref<256xi32, #tpu.memory_space<vmem>>
    tpu.enqueue_dma source(%dma_start3A_95 : memref<256xi32, #tpu.memory_space<vmem>>) target(%dma_start3A_93 : memref<256xi32, #tpu.memory_space<hbm>>) target_semaphore(%arg9 : memref<!tpu.dma_semaphore, #tpu.memory_space<semaphore_mem>>)
    %dma_start3A_96 = arith.constant 1 : i32
    %dma_start3A_97 = arith.constant 256 : i32
    %dma_start3A_98 = tpu.memref_slice %arg6[%dma_start3A_97] : memref<2048xf32, #tpu.memory_space<vmem>> -> memref<256xf32, #tpu.memory_space<vmem>>
    %dma_start3A_99 = tpu.memref_slice %arg3[%dma_start3A_96, %mul3A_2] : memref<8x8192xf32, #tpu.memory_space<hbm>> -> memref<1x256xf32, #tpu.memory_space<hbm>>
    %dma_start3A_100 = tpu.memref_squeeze %dma_start3A_99 : memref<1x256xf32, #tpu.memory_space<hbm>> -> memref<256xf32, #tpu.memory_space<hbm>>
    %dma_start3A_101 = tpu.memref_slice %arg3[%dma_start3A_96, %mul3A_2] : memref<8x8192xf32, #tpu.memory_space<hbm>> -> memref<1x256xf32, #tpu.memory_space<hbm>>
    %dma_start3A_102 = tpu.memref_squeeze %dma_start3A_101 : memref<1x256xf32, #tpu.memory_space<hbm>> -> memref<256xf32, #tpu.memory_space<hbm>>
    %dma_start3A_103 = arith.constant 256 : i32
    %dma_start3A_104 = tpu.memref_slice %arg6[%dma_start3A_103] : memref<2048xf32, #tpu.memory_space<vmem>> -> memref<256xf32, #tpu.memory_space<vmem>>
    tpu.enqueue_dma source(%dma_start3A_104 : memref<256xf32, #tpu.memory_space<vmem>>) target(%dma_start3A_102 : memref<256xf32, #tpu.memory_space<hbm>>) target_semaphore(%arg8 : memref<!tpu.dma_semaphore, #tpu.memory_space<semaphore_mem>>)
    %dma_start3A_105 = arith.constant 1 : i32
    %dma_start3A_106 = arith.constant 256 : i32
    %dma_start3A_107 = tpu.memref_slice %arg7[%dma_start3A_106] : memref<2048xi32, #tpu.memory_space<vmem>> -> memref<256xi32, #tpu.memory_space<vmem>>
    %dma_start3A_108 = tpu.memref_slice %arg4[%dma_start3A_105, %mul3A_2] : memref<8x8192xi32, #tpu.memory_space<hbm>> -> memref<1x256xi32, #tpu.memory_space<hbm>>
    %dma_start3A_109 = tpu.memref_squeeze %dma_start3A_108 : memref<1x256xi32, #tpu.memory_space<hbm>> -> memref<256xi32, #tpu.memory_space<hbm>>
    %dma_start3A_110 = tpu.memref_slice %arg4[%dma_start3A_105, %mul3A_2] : memref<8x8192xi32, #tpu.memory_space<hbm>> -> memref<1x256xi32, #tpu.memory_space<hbm>>
    %dma_start3A_111 = tpu.memref_squeeze %dma_start3A_110 : memref<1x256xi32, #tpu.memory_space<hbm>> -> memref<256xi32, #tpu.memory_space<hbm>>
    %dma_start3A_112 = arith.constant 256 : i32
    %dma_start3A_113 = tpu.memref_slice %arg7[%dma_start3A_112] : memref<2048xi32, #tpu.memory_space<vmem>> -> memref<256xi32, #tpu.memory_space<vmem>>
    tpu.enqueue_dma source(%dma_start3A_113 : memref<256xi32, #tpu.memory_space<vmem>>) target(%dma_start3A_111 : memref<256xi32, #tpu.memory_space<hbm>>) target_semaphore(%arg9 : memref<!tpu.dma_semaphore, #tpu.memory_space<semaphore_mem>>)
    %dma_start3A_114 = arith.constant 2 : i32
    %dma_start3A_115 = arith.constant 512 : i32
    %dma_start3A_116 = tpu.memref_slice %arg6[%dma_start3A_115] : memref<2048xf32, #tpu.memory_space<vmem>> -> memref<256xf32, #tpu.memory_space<vmem>>
    %dma_start3A_117 = tpu.memref_slice %arg3[%dma_start3A_114, %mul3A_2] : memref<8x8192xf32, #tpu.memory_space<hbm>> -> memref<1x256xf32, #tpu.memory_space<hbm>>
    %dma_start3A_118 = tpu.memref_squeeze %dma_start3A_117 : memref<1x256xf32, #tpu.memory_space<hbm>> -> memref<256xf32, #tpu.memory_space<hbm>>
    %dma_start3A_119 = tpu.memref_slice %arg3[%dma_start3A_114, %mul3A_2] : memref<8x8192xf32, #tpu.memory_space<hbm>> -> memref<1x256xf32, #tpu.memory_space<hbm>>
    %dma_start3A_120 = tpu.memref_squeeze %dma_start3A_119 : memref<1x256xf32, #tpu.memory_space<hbm>> -> memref<256xf32, #tpu.memory_space<hbm>>
    %dma_start3A_121 = arith.constant 512 : i32
    %dma_start3A_122 = tpu.memref_slice %arg6[%dma_start3A_121] : memref<2048xf32, #tpu.memory_space<vmem>> -> memref<256xf32, #tpu.memory_space<vmem>>
    tpu.enqueue_dma source(%dma_start3A_122 : memref<256xf32, #tpu.memory_space<vmem>>) target(%dma_start3A_120 : memref<256xf32, #tpu.memory_space<hbm>>) target_semaphore(%arg8 : memref<!tpu.dma_semaphore, #tpu.memory_space<semaphore_mem>>)
    %dma_start3A_123 = arith.constant 2 : i32
    %dma_start3A_124 = arith.constant 512 : i32
    %dma_start3A_125 = tpu.memref_slice %arg7[%dma_start3A_124] : memref<2048xi32, #tpu.memory_space<vmem>> -> memref<256xi32, #tpu.memory_space<vmem>>
    %dma_start3A_126 = tpu.memref_slice %arg4[%dma_start3A_123, %mul3A_2] : memref<8x8192xi32, #tpu.memory_space<hbm>> -> memref<1x256xi32, #tpu.memory_space<hbm>>
    %dma_start3A_127 = tpu.memref_squeeze %dma_start3A_126 : memref<1x256xi32, #tpu.memory_space<hbm>> -> memref<256xi32, #tpu.memory_space<hbm>>
    %dma_start3A_128 = tpu.memref_slice %arg4[%dma_start3A_123, %mul3A_2] : memref<8x8192xi32, #tpu.memory_space<hbm>> -> memref<1x256xi32, #tpu.memory_space<hbm>>
    %dma_start3A_129 = tpu.memref_squeeze %dma_start3A_128 : memref<1x256xi32, #tpu.memory_space<hbm>> -> memref<256xi32, #tpu.memory_space<hbm>>
    %dma_start3A_130 = arith.constant 512 : i32
    %dma_start3A_131 = tpu.memref_slice %arg7[%dma_start3A_130] : memref<2048xi32, #tpu.memory_space<vmem>> -> memref<256xi32, #tpu.memory_space<vmem>>
    tpu.enqueue_dma source(%dma_start3A_131 : memref<256xi32, #tpu.memory_space<vmem>>) target(%dma_start3A_129 : memref<256xi32, #tpu.memory_space<hbm>>) target_semaphore(%arg9 : memref<!tpu.dma_semaphore, #tpu.memory_space<semaphore_mem>>)
    %dma_start3A_132 = arith.constant 3 : i32
    %dma_start3A_133 = arith.constant 768 : i32
    %dma_start3A_134 = tpu.memref_slice %arg6[%dma_start3A_133] : memref<2048xf32, #tpu.memory_space<vmem>> -> memref<256xf32, #tpu.memory_space<vmem>>
    %dma_start3A_135 = tpu.memref_slice %arg3[%dma_start3A_132, %mul3A_2] : memref<8x8192xf32, #tpu.memory_space<hbm>> -> memref<1x256xf32, #tpu.memory_space<hbm>>
    %dma_start3A_136 = tpu.memref_squeeze %dma_start3A_135 : memref<1x256xf32, #tpu.memory_space<hbm>> -> memref<256xf32, #tpu.memory_space<hbm>>
    %dma_start3A_137 = tpu.memref_slice %arg3[%dma_start3A_132, %mul3A_2] : memref<8x8192xf32, #tpu.memory_space<hbm>> -> memref<1x256xf32, #tpu.memory_space<hbm>>
    %dma_start3A_138 = tpu.memref_squeeze %dma_start3A_137 : memref<1x256xf32, #tpu.memory_space<hbm>> -> memref<256xf32, #tpu.memory_space<hbm>>
    %dma_start3A_139 = arith.constant 768 : i32
    %dma_start3A_140 = tpu.memref_slice %arg6[%dma_start3A_139] : memref<2048xf32, #tpu.memory_space<vmem>> -> memref<256xf32, #tpu.memory_space<vmem>>
    tpu.enqueue_dma source(%dma_start3A_140 : memref<256xf32, #tpu.memory_space<vmem>>) target(%dma_start3A_138 : memref<256xf32, #tpu.memory_space<hbm>>) target_semaphore(%arg8 : memref<!tpu.dma_semaphore, #tpu.memory_space<semaphore_mem>>)
    %dma_start3A_141 = arith.constant 3 : i32
    %dma_start3A_142 = arith.constant 768 : i32
    %dma_start3A_143 = tpu.memref_slice %arg7[%dma_start3A_142] : memref<2048xi32, #tpu.memory_space<vmem>> -> memref<256xi32, #tpu.memory_space<vmem>>
    %dma_start3A_144 = tpu.memref_slice %arg4[%dma_start3A_141, %mul3A_2] : memref<8x8192xi32, #tpu.memory_space<hbm>> -> memref<1x256xi32, #tpu.memory_space<hbm>>
    %dma_start3A_145 = tpu.memref_squeeze %dma_start3A_144 : memref<1x256xi32, #tpu.memory_space<hbm>> -> memref<256xi32, #tpu.memory_space<hbm>>
    %dma_start3A_146 = tpu.memref_slice %arg4[%dma_start3A_141, %mul3A_2] : memref<8x8192xi32, #tpu.memory_space<hbm>> -> memref<1x256xi32, #tpu.memory_space<hbm>>
    %dma_start3A_147 = tpu.memref_squeeze %dma_start3A_146 : memref<1x256xi32, #tpu.memory_space<hbm>> -> memref<256xi32, #tpu.memory_space<hbm>>
    %dma_start3A_148 = arith.constant 768 : i32
    %dma_start3A_149 = tpu.memref_slice %arg7[%dma_start3A_148] : memref<2048xi32, #tpu.memory_space<vmem>> -> memref<256xi32, #tpu.memory_space<vmem>>
    tpu.enqueue_dma source(%dma_start3A_149 : memref<256xi32, #tpu.memory_space<vmem>>) target(%dma_start3A_147 : memref<256xi32, #tpu.memory_space<hbm>>) target_semaphore(%arg9 : memref<!tpu.dma_semaphore, #tpu.memory_space<semaphore_mem>>)
    %dma_start3A_150 = arith.constant 4 : i32
    %dma_start3A_151 = arith.constant 1024 : i32
    %dma_start3A_152 = tpu.memref_slice %arg6[%dma_start3A_151] : memref<2048xf32, #tpu.memory_space<vmem>> -> memref<256xf32, #tpu.memory_space<vmem>>
    %dma_start3A_153 = tpu.memref_slice %arg3[%dma_start3A_150, %mul3A_2] : memref<8x8192xf32, #tpu.memory_space<hbm>> -> memref<1x256xf32, #tpu.memory_space<hbm>>
    %dma_start3A_154 = tpu.memref_squeeze %dma_start3A_153 : memref<1x256xf32, #tpu.memory_space<hbm>> -> memref<256xf32, #tpu.memory_space<hbm>>
    %dma_start3A_155 = tpu.memref_slice %arg3[%dma_start3A_150, %mul3A_2] : memref<8x8192xf32, #tpu.memory_space<hbm>> -> memref<1x256xf32, #tpu.memory_space<hbm>>
    %dma_start3A_156 = tpu.memref_squeeze %dma_start3A_155 : memref<1x256xf32, #tpu.memory_space<hbm>> -> memref<256xf32, #tpu.memory_space<hbm>>
    %dma_start3A_157 = arith.constant 1024 : i32
    %dma_start3A_158 = tpu.memref_slice %arg6[%dma_start3A_157] : memref<2048xf32, #tpu.memory_space<vmem>> -> memref<256xf32, #tpu.memory_space<vmem>>
    tpu.enqueue_dma source(%dma_start3A_158 : memref<256xf32, #tpu.memory_space<vmem>>) target(%dma_start3A_156 : memref<256xf32, #tpu.memory_space<hbm>>) target_semaphore(%arg8 : memref<!tpu.dma_semaphore, #tpu.memory_space<semaphore_mem>>)
    %dma_start3A_159 = arith.constant 4 : i32
    %dma_start3A_160 = arith.constant 1024 : i32
    %dma_start3A_161 = tpu.memref_slice %arg7[%dma_start3A_160] : memref<2048xi32, #tpu.memory_space<vmem>> -> memref<256xi32, #tpu.memory_space<vmem>>
    %dma_start3A_162 = tpu.memref_slice %arg4[%dma_start3A_159, %mul3A_2] : memref<8x8192xi32, #tpu.memory_space<hbm>> -> memref<1x256xi32, #tpu.memory_space<hbm>>
    %dma_start3A_163 = tpu.memref_squeeze %dma_start3A_162 : memref<1x256xi32, #tpu.memory_space<hbm>> -> memref<256xi32, #tpu.memory_space<hbm>>
    %dma_start3A_164 = tpu.memref_slice %arg4[%dma_start3A_159, %mul3A_2] : memref<8x8192xi32, #tpu.memory_space<hbm>> -> memref<1x256xi32, #tpu.memory_space<hbm>>
    %dma_start3A_165 = tpu.memref_squeeze %dma_start3A_164 : memref<1x256xi32, #tpu.memory_space<hbm>> -> memref<256xi32, #tpu.memory_space<hbm>>
    %dma_start3A_166 = arith.constant 1024 : i32
    %dma_start3A_167 = tpu.memref_slice %arg7[%dma_start3A_166] : memref<2048xi32, #tpu.memory_space<vmem>> -> memref<256xi32, #tpu.memory_space<vmem>>
    tpu.enqueue_dma source(%dma_start3A_167 : memref<256xi32, #tpu.memory_space<vmem>>) target(%dma_start3A_165 : memref<256xi32, #tpu.memory_space<hbm>>) target_semaphore(%arg9 : memref<!tpu.dma_semaphore, #tpu.memory_space<semaphore_mem>>)
    %dma_start3A_168 = arith.constant 5 : i32
    %dma_start3A_169 = arith.constant 1280 : i32
    %dma_start3A_170 = tpu.memref_slice %arg6[%dma_start3A_169] : memref<2048xf32, #tpu.memory_space<vmem>> -> memref<256xf32, #tpu.memory_space<vmem>>
    %dma_start3A_171 = tpu.memref_slice %arg3[%dma_start3A_168, %mul3A_2] : memref<8x8192xf32, #tpu.memory_space<hbm>> -> memref<1x256xf32, #tpu.memory_space<hbm>>
    %dma_start3A_172 = tpu.memref_squeeze %dma_start3A_171 : memref<1x256xf32, #tpu.memory_space<hbm>> -> memref<256xf32, #tpu.memory_space<hbm>>
    %dma_start3A_173 = tpu.memref_slice %arg3[%dma_start3A_168, %mul3A_2] : memref<8x8192xf32, #tpu.memory_space<hbm>> -> memref<1x256xf32, #tpu.memory_space<hbm>>
    %dma_start3A_174 = tpu.memref_squeeze %dma_start3A_173 : memref<1x256xf32, #tpu.memory_space<hbm>> -> memref<256xf32, #tpu.memory_space<hbm>>
    %dma_start3A_175 = arith.constant 1280 : i32
    %dma_start3A_176 = tpu.memref_slice %arg6[%dma_start3A_175] : memref<2048xf32, #tpu.memory_space<vmem>> -> memref<256xf32, #tpu.memory_space<vmem>>
    tpu.enqueue_dma source(%dma_start3A_176 : memref<256xf32, #tpu.memory_space<vmem>>) target(%dma_start3A_174 : memref<256xf32, #tpu.memory_space<hbm>>) target_semaphore(%arg8 : memref<!tpu.dma_semaphore, #tpu.memory_space<semaphore_mem>>)
    %dma_start3A_177 = arith.constant 5 : i32
    %dma_start3A_178 = arith.constant 1280 : i32
    %dma_start3A_179 = tpu.memref_slice %arg7[%dma_start3A_178] : memref<2048xi32, #tpu.memory_space<vmem>> -> memref<256xi32, #tpu.memory_space<vmem>>
    %dma_start3A_180 = tpu.memref_slice %arg4[%dma_start3A_177, %mul3A_2] : memref<8x8192xi32, #tpu.memory_space<hbm>> -> memref<1x256xi32, #tpu.memory_space<hbm>>
    %dma_start3A_181 = tpu.memref_squeeze %dma_start3A_180 : memref<1x256xi32, #tpu.memory_space<hbm>> -> memref<256xi32, #tpu.memory_space<hbm>>
    %dma_start3A_182 = tpu.memref_slice %arg4[%dma_start3A_177, %mul3A_2] : memref<8x8192xi32, #tpu.memory_space<hbm>> -> memref<1x256xi32, #tpu.memory_space<hbm>>
    %dma_start3A_183 = tpu.memref_squeeze %dma_start3A_182 : memref<1x256xi32, #tpu.memory_space<hbm>> -> memref<256xi32, #tpu.memory_space<hbm>>
    %dma_start3A_184 = arith.constant 1280 : i32
    %dma_start3A_185 = tpu.memref_slice %arg7[%dma_start3A_184] : memref<2048xi32, #tpu.memory_space<vmem>> -> memref<256xi32, #tpu.memory_space<vmem>>
    tpu.enqueue_dma source(%dma_start3A_185 : memref<256xi32, #tpu.memory_space<vmem>>) target(%dma_start3A_183 : memref<256xi32, #tpu.memory_space<hbm>>) target_semaphore(%arg9 : memref<!tpu.dma_semaphore, #tpu.memory_space<semaphore_mem>>)
    %dma_start3A_186 = arith.constant 6 : i32
    %dma_start3A_187 = arith.constant 1536 : i32
    %dma_start3A_188 = tpu.memref_slice %arg6[%dma_start3A_187] : memref<2048xf32, #tpu.memory_space<vmem>> -> memref<256xf32, #tpu.memory_space<vmem>>
    %dma_start3A_189 = tpu.memref_slice %arg3[%dma_start3A_186, %mul3A_2] : memref<8x8192xf32, #tpu.memory_space<hbm>> -> memref<1x256xf32, #tpu.memory_space<hbm>>
    %dma_start3A_190 = tpu.memref_squeeze %dma_start3A_189 : memref<1x256xf32, #tpu.memory_space<hbm>> -> memref<256xf32, #tpu.memory_space<hbm>>
    %dma_start3A_191 = tpu.memref_slice %arg3[%dma_start3A_186, %mul3A_2] : memref<8x8192xf32, #tpu.memory_space<hbm>> -> memref<1x256xf32, #tpu.memory_space<hbm>>
    %dma_start3A_192 = tpu.memref_squeeze %dma_start3A_191 : memref<1x256xf32, #tpu.memory_space<hbm>> -> memref<256xf32, #tpu.memory_space<hbm>>
    %dma_start3A_193 = arith.constant 1536 : i32
    %dma_start3A_194 = tpu.memref_slice %arg6[%dma_start3A_193] : memref<2048xf32, #tpu.memory_space<vmem>> -> memref<256xf32, #tpu.memory_space<vmem>>
    tpu.enqueue_dma source(%dma_start3A_194 : memref<256xf32, #tpu.memory_space<vmem>>) target(%dma_start3A_192 : memref<256xf32, #tpu.memory_space<hbm>>) target_semaphore(%arg8 : memref<!tpu.dma_semaphore, #tpu.memory_space<semaphore_mem>>)
    %dma_start3A_195 = arith.constant 6 : i32
    %dma_start3A_196 = arith.constant 1536 : i32
    %dma_start3A_197 = tpu.memref_slice %arg7[%dma_start3A_196] : memref<2048xi32, #tpu.memory_space<vmem>> -> memref<256xi32, #tpu.memory_space<vmem>>
    %dma_start3A_198 = tpu.memref_slice %arg4[%dma_start3A_195, %mul3A_2] : memref<8x8192xi32, #tpu.memory_space<hbm>> -> memref<1x256xi32, #tpu.memory_space<hbm>>
    %dma_start3A_199 = tpu.memref_squeeze %dma_start3A_198 : memref<1x256xi32, #tpu.memory_space<hbm>> -> memref<256xi32, #tpu.memory_space<hbm>>
    %dma_start3A_200 = tpu.memref_slice %arg4[%dma_start3A_195, %mul3A_2] : memref<8x8192xi32, #tpu.memory_space<hbm>> -> memref<1x256xi32, #tpu.memory_space<hbm>>
    %dma_start3A_201 = tpu.memref_squeeze %dma_start3A_200 : memref<1x256xi32, #tpu.memory_space<hbm>> -> memref<256xi32, #tpu.memory_space<hbm>>
    %dma_start3A_202 = arith.constant 1536 : i32
    %dma_start3A_203 = tpu.memref_slice %arg7[%dma_start3A_202] : memref<2048xi32, #tpu.memory_space<vmem>> -> memref<256xi32, #tpu.memory_space<vmem>>
    tpu.enqueue_dma source(%dma_start3A_203 : memref<256xi32, #tpu.memory_space<vmem>>) target(%dma_start3A_201 : memref<256xi32, #tpu.memory_space<hbm>>) target_semaphore(%arg9 : memref<!tpu.dma_semaphore, #tpu.memory_space<semaphore_mem>>)
    %dma_start3A_204 = arith.constant 7 : i32
    %dma_start3A_205 = arith.constant 1792 : i32
    %dma_start3A_206 = tpu.memref_slice %arg6[%dma_start3A_205] : memref<2048xf32, #tpu.memory_space<vmem>> -> memref<256xf32, #tpu.memory_space<vmem>>
    %dma_start3A_207 = tpu.memref_slice %arg3[%dma_start3A_204, %mul3A_2] : memref<8x8192xf32, #tpu.memory_space<hbm>> -> memref<1x256xf32, #tpu.memory_space<hbm>>
    %dma_start3A_208 = tpu.memref_squeeze %dma_start3A_207 : memref<1x256xf32, #tpu.memory_space<hbm>> -> memref<256xf32, #tpu.memory_space<hbm>>
    %dma_start3A_209 = tpu.memref_slice %arg3[%dma_start3A_204, %mul3A_2] : memref<8x8192xf32, #tpu.memory_space<hbm>> -> memref<1x256xf32, #tpu.memory_space<hbm>>
    %dma_start3A_210 = tpu.memref_squeeze %dma_start3A_209 : memref<1x256xf32, #tpu.memory_space<hbm>> -> memref<256xf32, #tpu.memory_space<hbm>>
    %dma_start3A_211 = arith.constant 1792 : i32
    %dma_start3A_212 = tpu.memref_slice %arg6[%dma_start3A_211] : memref<2048xf32, #tpu.memory_space<vmem>> -> memref<256xf32, #tpu.memory_space<vmem>>
    tpu.enqueue_dma source(%dma_start3A_212 : memref<256xf32, #tpu.memory_space<vmem>>) target(%dma_start3A_210 : memref<256xf32, #tpu.memory_space<hbm>>) target_semaphore(%arg8 : memref<!tpu.dma_semaphore, #tpu.memory_space<semaphore_mem>>)
    %dma_start3A_213 = arith.constant 7 : i32
    %dma_start3A_214 = arith.constant 1792 : i32
    %dma_start3A_215 = tpu.memref_slice %arg7[%dma_start3A_214] : memref<2048xi32, #tpu.memory_space<vmem>> -> memref<256xi32, #tpu.memory_space<vmem>>
    %dma_start3A_216 = tpu.memref_slice %arg4[%dma_start3A_213, %mul3A_2] : memref<8x8192xi32, #tpu.memory_space<hbm>> -> memref<1x256xi32, #tpu.memory_space<hbm>>
    %dma_start3A_217 = tpu.memref_squeeze %dma_start3A_216 : memref<1x256xi32, #tpu.memory_space<hbm>> -> memref<256xi32, #tpu.memory_space<hbm>>
    %dma_start3A_218 = tpu.memref_slice %arg4[%dma_start3A_213, %mul3A_2] : memref<8x8192xi32, #tpu.memory_space<hbm>> -> memref<1x256xi32, #tpu.memory_space<hbm>>
    %dma_start3A_219 = tpu.memref_squeeze %dma_start3A_218 : memref<1x256xi32, #tpu.memory_space<hbm>> -> memref<256xi32, #tpu.memory_space<hbm>>
    %dma_start3A_220 = arith.constant 1792 : i32
    %dma_start3A_221 = tpu.memref_slice %arg7[%dma_start3A_220] : memref<2048xi32, #tpu.memory_space<vmem>> -> memref<256xi32, #tpu.memory_space<vmem>>
    tpu.enqueue_dma source(%dma_start3A_221 : memref<256xi32, #tpu.memory_space<vmem>>) target(%dma_start3A_219 : memref<256xi32, #tpu.memory_space<hbm>>) target_semaphore(%arg9 : memref<!tpu.dma_semaphore, #tpu.memory_space<semaphore_mem>>)
    %dma_wait3A = arith.constant 0 : i32
    %dma_wait3A_222 = arith.constant 0 : i32
    %dma_wait3A_223 = tpu.memref_slice %arg6[%dma_wait3A_222] : memref<2048xf32, #tpu.memory_space<vmem>> -> memref<256xf32, #tpu.memory_space<vmem>>
    %dma_wait3A_224 = tpu.memref_slice %arg3[%dma_wait3A, %mul3A_2] : memref<8x8192xf32, #tpu.memory_space<hbm>> -> memref<1x256xf32, #tpu.memory_space<hbm>>
    %dma_wait3A_225 = tpu.memref_squeeze %dma_wait3A_224 : memref<1x256xf32, #tpu.memory_space<hbm>> -> memref<256xf32, #tpu.memory_space<hbm>>
    %dma_wait3A_226 = tpu.memref_slice %arg3[%dma_wait3A, %mul3A_2] : memref<8x8192xf32, #tpu.memory_space<hbm>> -> memref<1x256xf32, #tpu.memory_space<hbm>>
    %dma_wait3A_227 = tpu.memref_squeeze %dma_wait3A_226 : memref<1x256xf32, #tpu.memory_space<hbm>> -> memref<256xf32, #tpu.memory_space<hbm>>
    %dma_wait3A_228 = arith.constant 0 : i32
    %dma_wait3A_229 = tpu.memref_slice %arg6[%dma_wait3A_228] : memref<2048xf32, #tpu.memory_space<vmem>> -> memref<256xf32, #tpu.memory_space<vmem>>
    tpu.wait_dma2 semaphore(%arg8 : memref<!tpu.dma_semaphore, #tpu.memory_space<semaphore_mem>>) src(%dma_wait3A_229 : memref<256xf32, #tpu.memory_space<vmem>>) dst(%dma_wait3A_227 : memref<256xf32, #tpu.memory_space<hbm>>)
    %dma_wait3A_230 = arith.constant 0 : i32
    %dma_wait3A_231 = arith.constant 0 : i32
    %dma_wait3A_232 = tpu.memref_slice %arg7[%dma_wait3A_231] : memref<2048xi32, #tpu.memory_space<vmem>> -> memref<256xi32, #tpu.memory_space<vmem>>
    %dma_wait3A_233 = tpu.memref_slice %arg4[%dma_wait3A_230, %mul3A_2] : memref<8x8192xi32, #tpu.memory_space<hbm>> -> memref<1x256xi32, #tpu.memory_space<hbm>>
    %dma_wait3A_234 = tpu.memref_squeeze %dma_wait3A_233 : memref<1x256xi32, #tpu.memory_space<hbm>> -> memref<256xi32, #tpu.memory_space<hbm>>
    %dma_wait3A_235 = tpu.memref_slice %arg4[%dma_wait3A_230, %mul3A_2] : memref<8x8192xi32, #tpu.memory_space<hbm>> -> memref<1x256xi32, #tpu.memory_space<hbm>>
    %dma_wait3A_236 = tpu.memref_squeeze %dma_wait3A_235 : memref<1x256xi32, #tpu.memory_space<hbm>> -> memref<256xi32, #tpu.memory_space<hbm>>
    %dma_wait3A_237 = arith.constant 0 : i32
    %dma_wait3A_238 = tpu.memref_slice %arg7[%dma_wait3A_237] : memref<2048xi32, #tpu.memory_space<vmem>> -> memref<256xi32, #tpu.memory_space<vmem>>
    tpu.wait_dma2 semaphore(%arg9 : memref<!tpu.dma_semaphore, #tpu.memory_space<semaphore_mem>>) src(%dma_wait3A_238 : memref<256xi32, #tpu.memory_space<vmem>>) dst(%dma_wait3A_236 : memref<256xi32, #tpu.memory_space<hbm>>)
    %dma_wait3A_239 = arith.constant 1 : i32
    %dma_wait3A_240 = arith.constant 256 : i32
    %dma_wait3A_241 = tpu.memref_slice %arg6[%dma_wait3A_240] : memref<2048xf32, #tpu.memory_space<vmem>> -> memref<256xf32, #tpu.memory_space<vmem>>
    %dma_wait3A_242 = tpu.memref_slice %arg3[%dma_wait3A_239, %mul3A_2] : memref<8x8192xf32, #tpu.memory_space<hbm>> -> memref<1x256xf32, #tpu.memory_space<hbm>>
    %dma_wait3A_243 = tpu.memref_squeeze %dma_wait3A_242 : memref<1x256xf32, #tpu.memory_space<hbm>> -> memref<256xf32, #tpu.memory_space<hbm>>
    %dma_wait3A_244 = tpu.memref_slice %arg3[%dma_wait3A_239, %mul3A_2] : memref<8x8192xf32, #tpu.memory_space<hbm>> -> memref<1x256xf32, #tpu.memory_space<hbm>>
    %dma_wait3A_245 = tpu.memref_squeeze %dma_wait3A_244 : memref<1x256xf32, #tpu.memory_space<hbm>> -> memref<256xf32, #tpu.memory_space<hbm>>
    %dma_wait3A_246 = arith.constant 256 : i32
    %dma_wait3A_247 = tpu.memref_slice %arg6[%dma_wait3A_246] : memref<2048xf32, #tpu.memory_space<vmem>> -> memref<256xf32, #tpu.memory_space<vmem>>
    tpu.wait_dma2 semaphore(%arg8 : memref<!tpu.dma_semaphore, #tpu.memory_space<semaphore_mem>>) src(%dma_wait3A_247 : memref<256xf32, #tpu.memory_space<vmem>>) dst(%dma_wait3A_245 : memref<256xf32, #tpu.memory_space<hbm>>)
    %dma_wait3A_248 = arith.constant 1 : i32
    %dma_wait3A_249 = arith.constant 256 : i32
    %dma_wait3A_250 = tpu.memref_slice %arg7[%dma_wait3A_249] : memref<2048xi32, #tpu.memory_space<vmem>> -> memref<256xi32, #tpu.memory_space<vmem>>
    %dma_wait3A_251 = tpu.memref_slice %arg4[%dma_wait3A_248, %mul3A_2] : memref<8x8192xi32, #tpu.memory_space<hbm>> -> memref<1x256xi32, #tpu.memory_space<hbm>>
    %dma_wait3A_252 = tpu.memref_squeeze %dma_wait3A_251 : memref<1x256xi32, #tpu.memory_space<hbm>> -> memref<256xi32, #tpu.memory_space<hbm>>
    %dma_wait3A_253 = tpu.memref_slice %arg4[%dma_wait3A_248, %mul3A_2] : memref<8x8192xi32, #tpu.memory_space<hbm>> -> memref<1x256xi32, #tpu.memory_space<hbm>>
    %dma_wait3A_254 = tpu.memref_squeeze %dma_wait3A_253 : memref<1x256xi32, #tpu.memory_space<hbm>> -> memref<256xi32, #tpu.memory_space<hbm>>
    %dma_wait3A_255 = arith.constant 256 : i32
    %dma_wait3A_256 = tpu.memref_slice %arg7[%dma_wait3A_255] : memref<2048xi32, #tpu.memory_space<vmem>> -> memref<256xi32, #tpu.memory_space<vmem>>
    tpu.wait_dma2 semaphore(%arg9 : memref<!tpu.dma_semaphore, #tpu.memory_space<semaphore_mem>>) src(%dma_wait3A_256 : memref<256xi32, #tpu.memory_space<vmem>>) dst(%dma_wait3A_254 : memref<256xi32, #tpu.memory_space<hbm>>)
    %dma_wait3A_257 = arith.constant 2 : i32
    %dma_wait3A_258 = arith.constant 512 : i32
    %dma_wait3A_259 = tpu.memref_slice %arg6[%dma_wait3A_258] : memref<2048xf32, #tpu.memory_space<vmem>> -> memref<256xf32, #tpu.memory_space<vmem>>
    %dma_wait3A_260 = tpu.memref_slice %arg3[%dma_wait3A_257, %mul3A_2] : memref<8x8192xf32, #tpu.memory_space<hbm>> -> memref<1x256xf32, #tpu.memory_space<hbm>>
    %dma_wait3A_261 = tpu.memref_squeeze %dma_wait3A_260 : memref<1x256xf32, #tpu.memory_space<hbm>> -> memref<256xf32, #tpu.memory_space<hbm>>
    %dma_wait3A_262 = tpu.memref_slice %arg3[%dma_wait3A_257, %mul3A_2] : memref<8x8192xf32, #tpu.memory_space<hbm>> -> memref<1x256xf32, #tpu.memory_space<hbm>>
    %dma_wait3A_263 = tpu.memref_squeeze %dma_wait3A_262 : memref<1x256xf32, #tpu.memory_space<hbm>> -> memref<256xf32, #tpu.memory_space<hbm>>
    %dma_wait3A_264 = arith.constant 512 : i32
    %dma_wait3A_265 = tpu.memref_slice %arg6[%dma_wait3A_264] : memref<2048xf32, #tpu.memory_space<vmem>> -> memref<256xf32, #tpu.memory_space<vmem>>
    tpu.wait_dma2 semaphore(%arg8 : memref<!tpu.dma_semaphore, #tpu.memory_space<semaphore_mem>>) src(%dma_wait3A_265 : memref<256xf32, #tpu.memory_space<vmem>>) dst(%dma_wait3A_263 : memref<256xf32, #tpu.memory_space<hbm>>)
    %dma_wait3A_266 = arith.constant 2 : i32
    %dma_wait3A_267 = arith.constant 512 : i32
    %dma_wait3A_268 = tpu.memref_slice %arg7[%dma_wait3A_267] : memref<2048xi32, #tpu.memory_space<vmem>> -> memref<256xi32, #tpu.memory_space<vmem>>
    %dma_wait3A_269 = tpu.memref_slice %arg4[%dma_wait3A_266, %mul3A_2] : memref<8x8192xi32, #tpu.memory_space<hbm>> -> memref<1x256xi32, #tpu.memory_space<hbm>>
    %dma_wait3A_270 = tpu.memref_squeeze %dma_wait3A_269 : memref<1x256xi32, #tpu.memory_space<hbm>> -> memref<256xi32, #tpu.memory_space<hbm>>
    %dma_wait3A_271 = tpu.memref_slice %arg4[%dma_wait3A_266, %mul3A_2] : memref<8x8192xi32, #tpu.memory_space<hbm>> -> memref<1x256xi32, #tpu.memory_space<hbm>>
    %dma_wait3A_272 = tpu.memref_squeeze %dma_wait3A_271 : memref<1x256xi32, #tpu.memory_space<hbm>> -> memref<256xi32, #tpu.memory_space<hbm>>
    %dma_wait3A_273 = arith.constant 512 : i32
    %dma_wait3A_274 = tpu.memref_slice %arg7[%dma_wait3A_273] : memref<2048xi32, #tpu.memory_space<vmem>> -> memref<256xi32, #tpu.memory_space<vmem>>
    tpu.wait_dma2 semaphore(%arg9 : memref<!tpu.dma_semaphore, #tpu.memory_space<semaphore_mem>>) src(%dma_wait3A_274 : memref<256xi32, #tpu.memory_space<vmem>>) dst(%dma_wait3A_272 : memref<256xi32, #tpu.memory_space<hbm>>)
    %dma_wait3A_275 = arith.constant 3 : i32
    %dma_wait3A_276 = arith.constant 768 : i32
    %dma_wait3A_277 = tpu.memref_slice %arg6[%dma_wait3A_276] : memref<2048xf32, #tpu.memory_space<vmem>> -> memref<256xf32, #tpu.memory_space<vmem>>
    %dma_wait3A_278 = tpu.memref_slice %arg3[%dma_wait3A_275, %mul3A_2] : memref<8x8192xf32, #tpu.memory_space<hbm>> -> memref<1x256xf32, #tpu.memory_space<hbm>>
    %dma_wait3A_279 = tpu.memref_squeeze %dma_wait3A_278 : memref<1x256xf32, #tpu.memory_space<hbm>> -> memref<256xf32, #tpu.memory_space<hbm>>
    %dma_wait3A_280 = tpu.memref_slice %arg3[%dma_wait3A_275, %mul3A_2] : memref<8x8192xf32, #tpu.memory_space<hbm>> -> memref<1x256xf32, #tpu.memory_space<hbm>>
    %dma_wait3A_281 = tpu.memref_squeeze %dma_wait3A_280 : memref<1x256xf32, #tpu.memory_space<hbm>> -> memref<256xf32, #tpu.memory_space<hbm>>
    %dma_wait3A_282 = arith.constant 768 : i32
    %dma_wait3A_283 = tpu.memref_slice %arg6[%dma_wait3A_282] : memref<2048xf32, #tpu.memory_space<vmem>> -> memref<256xf32, #tpu.memory_space<vmem>>
    tpu.wait_dma2 semaphore(%arg8 : memref<!tpu.dma_semaphore, #tpu.memory_space<semaphore_mem>>) src(%dma_wait3A_283 : memref<256xf32, #tpu.memory_space<vmem>>) dst(%dma_wait3A_281 : memref<256xf32, #tpu.memory_space<hbm>>)
    %dma_wait3A_284 = arith.constant 3 : i32
    %dma_wait3A_285 = arith.constant 768 : i32
    %dma_wait3A_286 = tpu.memref_slice %arg7[%dma_wait3A_285] : memref<2048xi32, #tpu.memory_space<vmem>> -> memref<256xi32, #tpu.memory_space<vmem>>
    %dma_wait3A_287 = tpu.memref_slice %arg4[%dma_wait3A_284, %mul3A_2] : memref<8x8192xi32, #tpu.memory_space<hbm>> -> memref<1x256xi32, #tpu.memory_space<hbm>>
    %dma_wait3A_288 = tpu.memref_squeeze %dma_wait3A_287 : memref<1x256xi32, #tpu.memory_space<hbm>> -> memref<256xi32, #tpu.memory_space<hbm>>
    %dma_wait3A_289 = tpu.memref_slice %arg4[%dma_wait3A_284, %mul3A_2] : memref<8x8192xi32, #tpu.memory_space<hbm>> -> memref<1x256xi32, #tpu.memory_space<hbm>>
    %dma_wait3A_290 = tpu.memref_squeeze %dma_wait3A_289 : memref<1x256xi32, #tpu.memory_space<hbm>> -> memref<256xi32, #tpu.memory_space<hbm>>
    %dma_wait3A_291 = arith.constant 768 : i32
    %dma_wait3A_292 = tpu.memref_slice %arg7[%dma_wait3A_291] : memref<2048xi32, #tpu.memory_space<vmem>> -> memref<256xi32, #tpu.memory_space<vmem>>
    tpu.wait_dma2 semaphore(%arg9 : memref<!tpu.dma_semaphore, #tpu.memory_space<semaphore_mem>>) src(%dma_wait3A_292 : memref<256xi32, #tpu.memory_space<vmem>>) dst(%dma_wait3A_290 : memref<256xi32, #tpu.memory_space<hbm>>)
    %dma_wait3A_293 = arith.constant 4 : i32
    %dma_wait3A_294 = arith.constant 1024 : i32
    %dma_wait3A_295 = tpu.memref_slice %arg6[%dma_wait3A_294] : memref<2048xf32, #tpu.memory_space<vmem>> -> memref<256xf32, #tpu.memory_space<vmem>>
    %dma_wait3A_296 = tpu.memref_slice %arg3[%dma_wait3A_293, %mul3A_2] : memref<8x8192xf32, #tpu.memory_space<hbm>> -> memref<1x256xf32, #tpu.memory_space<hbm>>
    %dma_wait3A_297 = tpu.memref_squeeze %dma_wait3A_296 : memref<1x256xf32, #tpu.memory_space<hbm>> -> memref<256xf32, #tpu.memory_space<hbm>>
    %dma_wait3A_298 = tpu.memref_slice %arg3[%dma_wait3A_293, %mul3A_2] : memref<8x8192xf32, #tpu.memory_space<hbm>> -> memref<1x256xf32, #tpu.memory_space<hbm>>
    %dma_wait3A_299 = tpu.memref_squeeze %dma_wait3A_298 : memref<1x256xf32, #tpu.memory_space<hbm>> -> memref<256xf32, #tpu.memory_space<hbm>>
    %dma_wait3A_300 = arith.constant 1024 : i32
    %dma_wait3A_301 = tpu.memref_slice %arg6[%dma_wait3A_300] : memref<2048xf32, #tpu.memory_space<vmem>> -> memref<256xf32, #tpu.memory_space<vmem>>
    tpu.wait_dma2 semaphore(%arg8 : memref<!tpu.dma_semaphore, #tpu.memory_space<semaphore_mem>>) src(%dma_wait3A_301 : memref<256xf32, #tpu.memory_space<vmem>>) dst(%dma_wait3A_299 : memref<256xf32, #tpu.memory_space<hbm>>)
    %dma_wait3A_302 = arith.constant 4 : i32
    %dma_wait3A_303 = arith.constant 1024 : i32
    %dma_wait3A_304 = tpu.memref_slice %arg7[%dma_wait3A_303] : memref<2048xi32, #tpu.memory_space<vmem>> -> memref<256xi32, #tpu.memory_space<vmem>>
    %dma_wait3A_305 = tpu.memref_slice %arg4[%dma_wait3A_302, %mul3A_2] : memref<8x8192xi32, #tpu.memory_space<hbm>> -> memref<1x256xi32, #tpu.memory_space<hbm>>
    %dma_wait3A_306 = tpu.memref_squeeze %dma_wait3A_305 : memref<1x256xi32, #tpu.memory_space<hbm>> -> memref<256xi32, #tpu.memory_space<hbm>>
    %dma_wait3A_307 = tpu.memref_slice %arg4[%dma_wait3A_302, %mul3A_2] : memref<8x8192xi32, #tpu.memory_space<hbm>> -> memref<1x256xi32, #tpu.memory_space<hbm>>
    %dma_wait3A_308 = tpu.memref_squeeze %dma_wait3A_307 : memref<1x256xi32, #tpu.memory_space<hbm>> -> memref<256xi32, #tpu.memory_space<hbm>>
    %dma_wait3A_309 = arith.constant 1024 : i32
    %dma_wait3A_310 = tpu.memref_slice %arg7[%dma_wait3A_309] : memref<2048xi32, #tpu.memory_space<vmem>> -> memref<256xi32, #tpu.memory_space<vmem>>
    tpu.wait_dma2 semaphore(%arg9 : memref<!tpu.dma_semaphore, #tpu.memory_space<semaphore_mem>>) src(%dma_wait3A_310 : memref<256xi32, #tpu.memory_space<vmem>>) dst(%dma_wait3A_308 : memref<256xi32, #tpu.memory_space<hbm>>)
    %dma_wait3A_311 = arith.constant 5 : i32
    %dma_wait3A_312 = arith.constant 1280 : i32
    %dma_wait3A_313 = tpu.memref_slice %arg6[%dma_wait3A_312] : memref<2048xf32, #tpu.memory_space<vmem>> -> memref<256xf32, #tpu.memory_space<vmem>>
    %dma_wait3A_314 = tpu.memref_slice %arg3[%dma_wait3A_311, %mul3A_2] : memref<8x8192xf32, #tpu.memory_space<hbm>> -> memref<1x256xf32, #tpu.memory_space<hbm>>
    %dma_wait3A_315 = tpu.memref_squeeze %dma_wait3A_314 : memref<1x256xf32, #tpu.memory_space<hbm>> -> memref<256xf32, #tpu.memory_space<hbm>>
    %dma_wait3A_316 = tpu.memref_slice %arg3[%dma_wait3A_311, %mul3A_2] : memref<8x8192xf32, #tpu.memory_space<hbm>> -> memref<1x256xf32, #tpu.memory_space<hbm>>
    %dma_wait3A_317 = tpu.memref_squeeze %dma_wait3A_316 : memref<1x256xf32, #tpu.memory_space<hbm>> -> memref<256xf32, #tpu.memory_space<hbm>>
    %dma_wait3A_318 = arith.constant 1280 : i32
    %dma_wait3A_319 = tpu.memref_slice %arg6[%dma_wait3A_318] : memref<2048xf32, #tpu.memory_space<vmem>> -> memref<256xf32, #tpu.memory_space<vmem>>
    tpu.wait_dma2 semaphore(%arg8 : memref<!tpu.dma_semaphore, #tpu.memory_space<semaphore_mem>>) src(%dma_wait3A_319 : memref<256xf32, #tpu.memory_space<vmem>>) dst(%dma_wait3A_317 : memref<256xf32, #tpu.memory_space<hbm>>)
    %dma_wait3A_320 = arith.constant 5 : i32
    %dma_wait3A_321 = arith.constant 1280 : i32
    %dma_wait3A_322 = tpu.memref_slice %arg7[%dma_wait3A_321] : memref<2048xi32, #tpu.memory_space<vmem>> -> memref<256xi32, #tpu.memory_space<vmem>>
    %dma_wait3A_323 = tpu.memref_slice %arg4[%dma_wait3A_320, %mul3A_2] : memref<8x8192xi32, #tpu.memory_space<hbm>> -> memref<1x256xi32, #tpu.memory_space<hbm>>
    %dma_wait3A_324 = tpu.memref_squeeze %dma_wait3A_323 : memref<1x256xi32, #tpu.memory_space<hbm>> -> memref<256xi32, #tpu.memory_space<hbm>>
    %dma_wait3A_325 = tpu.memref_slice %arg4[%dma_wait3A_320, %mul3A_2] : memref<8x8192xi32, #tpu.memory_space<hbm>> -> memref<1x256xi32, #tpu.memory_space<hbm>>
    %dma_wait3A_326 = tpu.memref_squeeze %dma_wait3A_325 : memref<1x256xi32, #tpu.memory_space<hbm>> -> memref<256xi32, #tpu.memory_space<hbm>>
    %dma_wait3A_327 = arith.constant 1280 : i32
    %dma_wait3A_328 = tpu.memref_slice %arg7[%dma_wait3A_327] : memref<2048xi32, #tpu.memory_space<vmem>> -> memref<256xi32, #tpu.memory_space<vmem>>
    tpu.wait_dma2 semaphore(%arg9 : memref<!tpu.dma_semaphore, #tpu.memory_space<semaphore_mem>>) src(%dma_wait3A_328 : memref<256xi32, #tpu.memory_space<vmem>>) dst(%dma_wait3A_326 : memref<256xi32, #tpu.memory_space<hbm>>)
    %dma_wait3A_329 = arith.constant 6 : i32
    %dma_wait3A_330 = arith.constant 1536 : i32
    %dma_wait3A_331 = tpu.memref_slice %arg6[%dma_wait3A_330] : memref<2048xf32, #tpu.memory_space<vmem>> -> memref<256xf32, #tpu.memory_space<vmem>>
    %dma_wait3A_332 = tpu.memref_slice %arg3[%dma_wait3A_329, %mul3A_2] : memref<8x8192xf32, #tpu.memory_space<hbm>> -> memref<1x256xf32, #tpu.memory_space<hbm>>
    %dma_wait3A_333 = tpu.memref_squeeze %dma_wait3A_332 : memref<1x256xf32, #tpu.memory_space<hbm>> -> memref<256xf32, #tpu.memory_space<hbm>>
    %dma_wait3A_334 = tpu.memref_slice %arg3[%dma_wait3A_329, %mul3A_2] : memref<8x8192xf32, #tpu.memory_space<hbm>> -> memref<1x256xf32, #tpu.memory_space<hbm>>
    %dma_wait3A_335 = tpu.memref_squeeze %dma_wait3A_334 : memref<1x256xf32, #tpu.memory_space<hbm>> -> memref<256xf32, #tpu.memory_space<hbm>>
    %dma_wait3A_336 = arith.constant 1536 : i32
    %dma_wait3A_337 = tpu.memref_slice %arg6[%dma_wait3A_336] : memref<2048xf32, #tpu.memory_space<vmem>> -> memref<256xf32, #tpu.memory_space<vmem>>
    tpu.wait_dma2 semaphore(%arg8 : memref<!tpu.dma_semaphore, #tpu.memory_space<semaphore_mem>>) src(%dma_wait3A_337 : memref<256xf32, #tpu.memory_space<vmem>>) dst(%dma_wait3A_335 : memref<256xf32, #tpu.memory_space<hbm>>)
    %dma_wait3A_338 = arith.constant 6 : i32
    %dma_wait3A_339 = arith.constant 1536 : i32
    %dma_wait3A_340 = tpu.memref_slice %arg7[%dma_wait3A_339] : memref<2048xi32, #tpu.memory_space<vmem>> -> memref<256xi32, #tpu.memory_space<vmem>>
    %dma_wait3A_341 = tpu.memref_slice %arg4[%dma_wait3A_338, %mul3A_2] : memref<8x8192xi32, #tpu.memory_space<hbm>> -> memref<1x256xi32, #tpu.memory_space<hbm>>
    %dma_wait3A_342 = tpu.memref_squeeze %dma_wait3A_341 : memref<1x256xi32, #tpu.memory_space<hbm>> -> memref<256xi32, #tpu.memory_space<hbm>>
    %dma_wait3A_343 = tpu.memref_slice %arg4[%dma_wait3A_338, %mul3A_2] : memref<8x8192xi32, #tpu.memory_space<hbm>> -> memref<1x256xi32, #tpu.memory_space<hbm>>
    %dma_wait3A_344 = tpu.memref_squeeze %dma_wait3A_343 : memref<1x256xi32, #tpu.memory_space<hbm>> -> memref<256xi32, #tpu.memory_space<hbm>>
    %dma_wait3A_345 = arith.constant 1536 : i32
    %dma_wait3A_346 = tpu.memref_slice %arg7[%dma_wait3A_345] : memref<2048xi32, #tpu.memory_space<vmem>> -> memref<256xi32, #tpu.memory_space<vmem>>
    tpu.wait_dma2 semaphore(%arg9 : memref<!tpu.dma_semaphore, #tpu.memory_space<semaphore_mem>>) src(%dma_wait3A_346 : memref<256xi32, #tpu.memory_space<vmem>>) dst(%dma_wait3A_344 : memref<256xi32, #tpu.memory_space<hbm>>)
    %dma_wait3A_347 = arith.constant 7 : i32
    %dma_wait3A_348 = arith.constant 1792 : i32
    %dma_wait3A_349 = tpu.memref_slice %arg6[%dma_wait3A_348] : memref<2048xf32, #tpu.memory_space<vmem>> -> memref<256xf32, #tpu.memory_space<vmem>>
    %dma_wait3A_350 = tpu.memref_slice %arg3[%dma_wait3A_347, %mul3A_2] : memref<8x8192xf32, #tpu.memory_space<hbm>> -> memref<1x256xf32, #tpu.memory_space<hbm>>
    %dma_wait3A_351 = tpu.memref_squeeze %dma_wait3A_350 : memref<1x256xf32, #tpu.memory_space<hbm>> -> memref<256xf32, #tpu.memory_space<hbm>>
    %dma_wait3A_352 = tpu.memref_slice %arg3[%dma_wait3A_347, %mul3A_2] : memref<8x8192xf32, #tpu.memory_space<hbm>> -> memref<1x256xf32, #tpu.memory_space<hbm>>
    %dma_wait3A_353 = tpu.memref_squeeze %dma_wait3A_352 : memref<1x256xf32, #tpu.memory_space<hbm>> -> memref<256xf32, #tpu.memory_space<hbm>>
    %dma_wait3A_354 = arith.constant 1792 : i32
    %dma_wait3A_355 = tpu.memref_slice %arg6[%dma_wait3A_354] : memref<2048xf32, #tpu.memory_space<vmem>> -> memref<256xf32, #tpu.memory_space<vmem>>
    tpu.wait_dma2 semaphore(%arg8 : memref<!tpu.dma_semaphore, #tpu.memory_space<semaphore_mem>>) src(%dma_wait3A_355 : memref<256xf32, #tpu.memory_space<vmem>>) dst(%dma_wait3A_353 : memref<256xf32, #tpu.memory_space<hbm>>)
    %dma_wait3A_356 = arith.constant 7 : i32
    %dma_wait3A_357 = arith.constant 1792 : i32
    %dma_wait3A_358 = tpu.memref_slice %arg7[%dma_wait3A_357] : memref<2048xi32, #tpu.memory_space<vmem>> -> memref<256xi32, #tpu.memory_space<vmem>>
    %dma_wait3A_359 = tpu.memref_slice %arg4[%dma_wait3A_356, %mul3A_2] : memref<8x8192xi32, #tpu.memory_space<hbm>> -> memref<1x256xi32, #tpu.memory_space<hbm>>
    %dma_wait3A_360 = tpu.memref_squeeze %dma_wait3A_359 : memref<1x256xi32, #tpu.memory_space<hbm>> -> memref<256xi32, #tpu.memory_space<hbm>>
    %dma_wait3A_361 = tpu.memref_slice %arg4[%dma_wait3A_356, %mul3A_2] : memref<8x8192xi32, #tpu.memory_space<hbm>> -> memref<1x256xi32, #tpu.memory_space<hbm>>
    %dma_wait3A_362 = tpu.memref_squeeze %dma_wait3A_361 : memref<1x256xi32, #tpu.memory_space<hbm>> -> memref<256xi32, #tpu.memory_space<hbm>>
    %dma_wait3A_363 = arith.constant 1792 : i32
    %dma_wait3A_364 = tpu.memref_slice %arg7[%dma_wait3A_363] : memref<2048xi32, #tpu.memory_space<vmem>> -> memref<256xi32, #tpu.memory_space<vmem>>
    tpu.wait_dma2 semaphore(%arg9 : memref<!tpu.dma_semaphore, #tpu.memory_space<semaphore_mem>>) src(%dma_wait3A_364 : memref<256xi32, #tpu.memory_space<vmem>>) dst(%dma_wait3A_362 : memref<256xi32, #tpu.memory_space<hbm>>)
    return
  }
}

module attributes {stable_mosaic.version = 14 : i64} {
  func.func @_matmul_body(%arg0: i32, %arg1: memref<1024x2048xf32, #tpu.memory_space<vmem>>, %arg2: memref<2048x64xf32, #tpu.memory_space<vmem>>, %arg3: memref<1024x64xf32, #tpu.memory_space<vmem>>) attributes {dimension_semantics = [#tpu.dimension_semantics<arbitrary>], iteration_bounds = array<i64: 8>, scalar_prefetch = 0 : i64, scratch_operands = 0 : i64, tpu.core_type = #tpu.core_type<tc>, window_params = [{transform_indices = @transform_0, window_bounds = array<i64: 1024, 2048>}, {pipeline_mode = #tpu.pipeline_mode<synchronous>, transform_indices = @transform_1, window_bounds = array<i64: 2048, 64>}, {transform_indices = @transform_2, window_bounds = array<i64: 1024, 64>}]} {
    %get3A = arith.constant 0 : index
    %get3A_0 = arith.constant 0 : index
    %get3A_1 = vector.load %arg1[%get3A, %get3A_0] : memref<1024x2048xf32, #tpu.memory_space<vmem>>, vector<1024x2048xf32>
    %get3A_2 = arith.constant 0 : index
    %get3A_3 = arith.constant 0 : index
    %get3A_4 = vector.load %arg2[%get3A_2, %get3A_3] : memref<2048x64xf32, #tpu.memory_space<vmem>>, vector<2048x64xf32>
    %dot_general3A = arith.constant dense<0.000000e+00> : vector<1024x64xf32>
    %dot_general3A_5 = tpu.matmul %get3A_1, %get3A_4, %dot_general3A {dimension_numbers = #tpu.dot_dimension_numbers<[1], [0], [0], [1], [0, 0, 1, 1], [], []>, transpose_lhs_hint = false} : vector<1024x2048xf32>, vector<2048x64xf32>, vector<1024x64xf32> -> vector<1024x64xf32>
    %swap3A = arith.constant 0 : index
    %swap3A_6 = arith.constant 0 : index
    %swap3A_7 = vector.load %arg3[%swap3A, %swap3A_6] : memref<1024x64xf32, #tpu.memory_space<vmem>>, vector<1024x64xf32>
    tpu.vector_store %arg3[%swap3A, %swap3A_6], %dot_general3A_5 {strides = array<i32>} : memref<1024x64xf32, #tpu.memory_space<vmem>>, vector<1024x64xf32>,
    return
  }
  func.func @transform_0(%arg0: i32) -> (i32, i32) {
    %c0_i32 = arith.constant 0 : i32
    %c0_i32_0 = arith.constant 0 : i32
    return %arg0, %c0_i32 : i32, i32
  }
  func.func @transform_1(%arg0: i32) -> (i32, i32) {
    %c0_i32 = arith.constant 0 : i32
    %c0_i32_0 = arith.constant 0 : i32
    %c0_i32_1 = arith.constant 0 : i32
    return %c0_i32, %c0_i32_0 : i32, i32
  }
  func.func @transform_2(%arg0: i32) -> (i32, i32) {
    %c0_i32 = arith.constant 0 : i32
    %c0_i32_0 = arith.constant 0 : i32
    return %arg0, %c0_i32 : i32, i32
  }
}

</mosaic_0001>

<sc_bundles>
// kernel: kernel.4.cloned.1.call-start
scs
__scs_entry_jumppad:
0x0: {  	(pc) =	sbr.rel $0x88, $3  }
0x1: {  	(tag) =	ssettag $0x0;
	lr =	simm.s32 $0x1  }
0x2: {  	[smem:$0x3F9F] =	sst lr;
	_ =	strace $0xD0000000  }
0x3: {  	_ = 	snop  }
0x4: {  	_ = 	snop  }
0x5: {  	_ = 	snop  }
0x6: {  	_ = 	snop  }
0x7: {  	_ = 	snop  }
__scs_overlays_trampoline_lowered:
0x8: {  	[smem:$0x3FAE] =	sst s0  }
0x9: {  	[smem:$0x3FAF] =	sst s1  }
0xa: {  	[smem:$0x3FB0] =	sst s2  }
0xb: {  	[smem:$0x3FB1] =	sst s3  }
0xc: {  	[smem:$0x3FB2] =	sst s4  }
0xd: {  	[smem:$0x3FB3] =	sst s5  }
0xe: {  	[smem:$0x3FB4] =	sst s6  }
0xf: {  	[smem:$0x3FB5] =	sst s7  }
0x10: {  	[smem:$0x3FB6] =	sst s8  }
0x11: {  	[smem:$0x3FB7] =	sst s9;
	s0 =	simm.s32 @!p0 $0x0  }
0x12: {  	s1 =	sld [smem:$0x3F9D];
	s0 =	simm.s32 @p0 $0x1  }
0x13: {  	[smem:$0x3FB8] =	sst s0;
	s0 =	simm.s32 @!p1 $0x0  }
0x14: {  	s2 =	sld [smem:$0x3F9C];
	s0 =	simm.s32 @p1 $0x1  }
0x15: {  	[smem:$0x3FB9] =	sst s0;
	s0 =	simm.s32 @!p2 $0x0  }
0x16: {  	s3 =	sld [smem:$0x3FDB];
	s0 =	simm.s32 @p2 $0x1  }
0x17: {  	s4 =	simm.s32 $0x1BF5;
	[smem:$0x3FBB] =	sst s0  }
0x18: {  	s0 =	sld [smem:$0x3F9E];
	_ =	swait.ge [sflag:s4], $0x0  }
0x19: {  	s7 =	sld [smem:$0x3F9F]  }
0x1a: {  	s8 =	sadd.s32 $0xFFFFE003, lr  }
0x1b: {  	s9 =	sadd.s32 $0xFFFFFEF7, lr;
	s5 =	simm.s32 $0xFFFFFFFF;
	p2 =	slt.u32 s8, $0xFFFFF086  }
0x1c: {  	p1 =	slt.u32 s9, $0xF7A;
	s5 =	simm.s32 @!p2 $0x0  }
0x1d: {  	s5 =	simm.s32 @p1 $0x1;
	p0 =	seq.s32 s7, s2  }
0x1e: {  	s7 =	smul.u32 @!p0 $0xF7A, s2;
	p2 =	seq.s32 @!p0 s5, $0x0  }
0x1f: {  	s9 =	smul.u32 $0xF7A, s1;
	s8 =	simm.s32 @!p0 $0x1BF5;
	p2 =	por !p2, p0  }
0x20: {  	[sflag:s8] =	ssyncset.s32 @!p0 $0xFFFFF086;
	s6 =	sadd.s32 @!p0 s3, s7;
	s7 =	simm.s32 @!p0 $0x108  }
0x21: {  	s3 =	sadd.s32 s3, s9;
	s6 =	sadd.s32 @!p0 $0x88, s6;
	s7 =	simm.s32 @p2 $0x1082  }
0x22: {  	[simem:s7], [sflag:s8] =	dma.local @!p0 [hbm:s6], $0xF7A  }
0x23: {  	s9 =	sor.u32 $0xD0000000, s2;
	s6 =	simm.s32 $0x108;
	_ =	swait.ge @!p0 [sflag:s8], $0x0  }
0x24: {  	s3 =	sadd.s32 $0x88, s3;
	s6 =	simm.s32 @!p1 $0x1082;
	[sflag:s4] =	ssyncset.s32 $0xFFFFF086  }
0x25: {  	[simem:s6], [sflag:s4] =	dma.local [hbm:s3], $0xF7A  }
0x26: {  	[smem:$0x3F9F] =	sst s1;
	(tag) =	ssettag s2;
	_ =	strace s9  }
0x27: {  	s1 =	sld [smem:$0x3FAF]  }
0x28: {  	s2 =	sld [smem:$0x3FB0]  }
0x29: {  	s4 =	sld [smem:$0x3FB2]  }
0x2a: {  	p0 =	seq.s32 s5, $0x0;
	s5 =	sld [smem:$0x3FB3]  }
0x2b: {  	s6 =	sld [smem:$0x3FB4]  }
0x2c: {  	s7 =	sld [smem:$0x3FB5]  }
0x2d: {  	s3 =	simm.s32 $0x108;
	s8 =	sld [smem:$0x3FB6]  }
0x2e: {  	s3 =	simm.s32 @!p0 $0x1082;
	s9 =	sld [smem:$0x3FB7]  }
0x2f: {  	lr =	sadd.s32 s0, s3;
	s0 =	sld [smem:$0x3FAE]  }
0x30: {  	s3 =	sld [smem:$0x3FB1]  }
0x31: {  	[smem:$0x3FBA] =	sst s10  }
0x32: {  	s10 =	sld [smem:$0x3FB8];
	_ =	sdelay $0x3  }
0x33: {  	p0 =	seq.s32 s10, $0x1;
	s10 =	sld [smem:$0x3FBA];
	_ =	sdelay $0x3  }
0x34: {  	[smem:$0x3FBA] =	sst s10  }
0x35: {  	s10 =	sld [smem:$0x3FB9];
	_ =	sdelay $0x3  }
0x36: {  	p1 =	seq.s32 s10, $0x1;
	s10 =	sld [smem:$0x3FBA];
	_ =	sdelay $0x3  }
0x37: {  	[smem:$0x3FBA] =	sst s10  }
0x38: {  	s10 =	sld [smem:$0x3FBB]  }
0x39: {  	_ = 	snop;
	(pc) =	sbr.ind lr, $3  }
0x3a: {  	_ = 	snop  }
0x3b: {  	_ = 	snop  }
0x3c: {  	p2 =	seq.s32 s10, $0x1;
	s10 =	sld [smem:$0x3FBA]  }
0x3d: {  	_ =	shalt  }
0x3e: {  	_ =	shalt  }
0x3f: {  	_ =	shalt  }
0x40: {  	_ =	shalt  }
0x41: {  	_ =	shalt  }
0x42: {  	_ =	shalt  }
0x43: {  	_ =	shalt  }
0x44: {  	_ =	shalt  }
0x45: {  	_ =	shalt  }
0x46: {  	_ =	shalt  }
0x47: {  	_ =	shalt  }
0x48: {  	_ =	shalt  }
0x49: {  	_ =	shalt  }
0x4a: {  	_ =	shalt  }
0x4b: {  	_ =	shalt  }
0x4c: {  	_ =	shalt  }
0x4d: {  	_ =	shalt  }
0x4e: {  	_ =	shalt  }
0x4f: {  	_ =	shalt  }
0x50: {  	_ =	shalt  }
0x51: {  	_ =	shalt  }
0x52: {  	_ =	shalt  }
0x53: {  	_ =	shalt  }
0x54: {  	_ =	shalt  }
0x55: {  	_ =	shalt  }
0x56: {  	_ =	shalt  }
0x57: {  	_ =	shalt  }
0x58: {  	_ =	shalt  }
0x59: {  	_ =	shalt  }
0x5a: {  	_ =	shalt  }
0x5b: {  	_ =	shalt  }
0x5c: {  	_ =	shalt  }
0x5d: {  	_ =	shalt  }
0x5e: {  	_ =	shalt  }
0x5f: {  	_ =	shalt  }
0x60: {  	_ =	shalt  }
0x61: {  	_ =	shalt  }
0x62: {  	_ =	shalt  }
0x63: {  	_ =	shalt  }
0x64: {  	_ =	shalt  }
0x65: {  	_ =	shalt  }
0x66: {  	_ =	shalt  }
0x67: {  	_ =	shalt  }
0x68: {  	_ =	shalt  }
0x69: {  	_ =	shalt  }
0x6a: {  	_ =	shalt  }
0x6b: {  	_ =	shalt  }
0x6c: {  	_ =	shalt  }
0x6d: {  	_ =	shalt  }
0x6e: {  	_ =	shalt  }
0x6f: {  	_ =	shalt  }
0x70: {  	_ =	shalt  }
0x71: {  	_ =	shalt  }
0x72: {  	_ =	shalt  }
0x73: {  	_ =	shalt  }
0x74: {  	_ =	shalt  }
0x75: {  	_ =	shalt  }
0x76: {  	_ =	shalt  }
0x77: {  	_ =	shalt  }
0x78: {  	_ =	shalt  }
0x79: {  	_ =	shalt  }
0x7a: {  	_ =	shalt  }
0x7b: {  	_ =	shalt  }
0x7c: {  	_ =	shalt  }
0x7d: {  	_ =	shalt  }
0x7e: {  	_ =	shalt  }
0x7f: {  	_ =	shalt  }
0x80: {  	_ =	shalt  }
0x81: {  	_ =	shalt  }
0x82: {  	_ =	shalt  }
0x83: {  	_ =	shalt  }
0x84: {  	_ =	shalt  }
0x85: {  	_ =	shalt  }
0x86: {  	_ =	shalt  }
0x87: {  	_ =	shalt  }
.Lfunc_end0:
.L_simem_size_0:
called_computation_lowered:
.L_overlay_start_0:
0x88: {  	s2 =	sld [smem:$0x3FD9]  }
0x89: {  	s3 =	sld [smem:$0x3FFE];
	_ =	sdelay $0x1  }
0x8a: {  	s1 =	srdreg.scid  }
0x8b: {  	s0 =	sand.u32 $0x1, s1  }
0x8c: {  	s14 =	sshll.u32 s0, $0xA;
	s2 =	sadd.s32 s3, s2  }
0x8d: {  	s2 =	sadd.s32 s2, s14  }
0x8e: {  	[smem:$0x3FC6] =	sst s2  }
0x8f: {  	_ = 	snop  }
0x90: {  	s2 =	sld [smem:$0x3FD0];
	_ =	sdelay $0x2  }
0x91: {  	s15 =	simm.s32 $0xA;
	s4 =	simm.s32 $0x10  }
0x92: {  	[smem:s4], [sflag:s15] =	dma.local [hbm:s2], $0x1  }
0x93: {  	_ =	swait.eq [sflag:s15], $0x1  }
0x94: {  	[sflag:s15] =	ssyncset.done $0x0  }
0x95: {  	s16 =	sld [smem:$0x11];
	[sflag:s15] =	ssyncadd.s32 $0xFFFFFFFF  }
0x96: {  	s17 =	sld [smem:$0x12];
	(tm) =	ssettm $0x1  }
0x97: {  	s18 =	sld [smem:$0x3FFB];
	_ =	sdelay $0x3  }
0x98: {  	_ =	strace s18  }
0x99: {  	s4 =	sld [smem:$0x3FFC];
	_ =	sdelay $0x3  }
0x9a: {  	_ =	strace s4  }
0x9b: {  	s4 =	sld [smem:$0x3FFD];
	_ =	sdelay $0x3  }
0x9c: {  	_ =	strace s4  }
0x9d: {  	_ =	strace $0x8FFFFFFF  }
0x9e: {  	s19 =	sld [smem:$0x3FDB];
	_ =	sdelay $0x1  }
0x9f: {  	s5 =	simm.s32 $_scs_section_size  }
0xa0: {  	s6 =	simm.s32 $_size__tile_overlayer_lowered;
	s7 =	simm.s32 $_tile_overlayer_lowered  }
0xa1: {  	s22 =	simm.s32 $0x1BFF;
	s21 =	sshll.u32 s7, $0x1;
	s4 =	sadd.s32 s5, s19  }
0xa2: {  	s8 =	simm.s32 $0x0;
	s20 =	sshll.u32 s6, $0x1;
	s6 =	sadd.s32 s21, s4  }
0xa3: {  	[timem:s8], [sflag:s22] =	dma.local [hbm:s6], s20  }
0xa4: {  	_ =	swait.ge [sflag:s22], s20  }
0xa5: {  	s5 =	ssub.s32 $0x0, s20;
	[sflag:s22] =	ssyncset.done $0x0  }
0xa6: {  	[sflag:s22] =	ssyncadd.s32 s5;
	_ =	sdelay $0x1  }
0xa7: {  	s23 =	simm.s32 $0x1B8B  }
0xa8: {  	_ =	swait.ge [sflag:s23], $0x1  }
0xa9: {  	[sflag:s23] =	ssyncset.done $0x0  }
0xaa: {  	s25 =	simm.s32 $0x1B8E;
	s24 =	sld [smem:$0x3FFE];
	[sflag:s23] =	ssyncadd.s32 $0xFFFFFFFF  }
0xab: {  	s26 =	simm.s32 $execute0_lowered;
	[smem:$0x3FD2] =	sst s25  }
0xac: {  	s6 =	sshll.u32 s26, $0x1;
	_ =	strace $0x80000046;
	[dreg:$0x1] =	wrdreg $0xFFFFFFFF  }
0xad: {  	s28 =	simm.s32 $_size_execute0_lowered;
	s4 =	sadd.s32 s4, s6;
	[dreg:$0x0] =	wrdreg $0x0  }
0xae: {  	s6 =	sshll.u32 s28, $0x1;
	[dreg:$0x2] =	wrdreg s4  }
0xaf: {  	[dreg:$0x3] =	wrdreg s6  }
0xb0: {  	[dreg:$0x4] =	wrdreg $0xC0  }
0xb1: {  	_ =	task [dreg:s8], $0x5FFFF  }
0xb2: {  	[dreg:$0x1] =	wrdreg $0xFFFFFFFF  }
0xb3: {  	[dreg:$0x0] =	wrdreg $0x60  }
0xb4: {  	[dreg:$0x2] =	wrdreg s24  }
0xb5: {  	[dreg:$0x3] =	wrdreg s16  }
0xb6: {  	[dreg:$0x4] =	wrdreg s17  }
0xb7: {  	[dreg:$0x5] =	wrdreg $0x9  }
0xb8: {  	_ =	task.clear_ibuf [dreg:s8], $0x6FFFF;
	_ =	strace $0x90000046  }
0xb9: {  	s29 =	simm.s32 $0x9;
	_ =	strace $0x80000048  }
0xba: {  	_ =	swait.ge [sflag:s29], $0x1  }
0xbb: {  	[sflag:s29] =	ssyncadd.s32 $0xFFFFFFFF  }
0xbc: {  	_ =	strace $0x90000048  }
0xbd: {  	_ =	sfence  }
0xbe: {  	s30 =	sld [smem:$0x0];
	_ =	sdelay $0x2  }
0xbf: {  	s31 =	sshll.u32 s1, $0xD;
	s1 =	sshrl.u32 s1, $0x2  }
0xc0: {  	s3 =	sand.u32 $0x4000, s31;
	s1 =	sadd.s32 s1, s30  }
0xc1: {  	s0 =	sor.u32 s3, s0;
	s1 =	sshll.u32 s1, $0x11  }
0xc2: {  	s0 =	sor.u32 s1, s0  }
0xc3: {  	s0 =	sadd.s32 $0x8F2B, s0  }
0xc4: {  	[sflag:s0] =	ssyncadd.remote.s32 $0x1  }
0xc5: {  	_ =	sfence.sel $0xFFFF  }
0xc6: {  	[dreg:$0x0] =	wrdreg $0xFFFFFFFF;
	(pc) =	sbr.abs _section_cstart, $3  }
0xc7: {  	[dreg:$0x1] =	wrdreg $0xFFFFFFFF  }
0xc8: {  	_ =	task.clear_ibuf [dreg:s8], $0x2FFFF;
	_ =	strace $0x9FFFFFFF  }
0xc9: {  	(tm) =	ssettm $0x7FFFFFFF  }
tec
execute0_lowered:
.L_overlay_start_1:
0x0: {  	(tag) =	ssettag $0x1  }
0x1: {  	s0 =	rddreg [dreg:$0x0];
	s1 =	srdreg.scid  }
0x2: {  	s2 =	rddreg [dreg:$0x1];
	s4 =	stileid.u32  }
0x3: {  	s3 =	rddreg [dreg:$0x2];
	s6 =	simm.s32 $0x0;
	s21 =	simm.s32 $0x3  }
0x4: {  	s22 =	simm.s32 $0x8000;
	s23 =	simm.s32 $0x8800;
	s1 =	sand.u32 $0x1, s1  }
0x5: {  	s24 =	simm.s32 $0x80;
	s4 =	sshll.u32 s4, $0x9;
	s5 =	sshll.u32 s1, $0x8  }
0x6: {  	[smem:$0x7FF] =	sst s6;
	s1 =	ssub.s32 $0x2, s1;
	s16 =	sor.u32 s5, s4  }
0x7: {  	_ =	strace $0x80000047;
	s25 =	sshrl.u32 s1, $0x1;
	s4 =	sshll.u32 s16, $0x4  }
0x8: {  	s1 =	ssub.s32 s1, s25;
	s26 =	sor.u32 $0x10, s16;
	s28 =	sadd.s32 s2, s16  }
0x9: {  	s5 =	sadd.s32 s3, s16;
	s29 =	sor.u32 $0x20, s16;
	s11 =	sor.u32 $0x30, s16  }
0xa: {  	s30 =	sor.u32 $0x40, s16;
	s15 =	sor.u32 $0x50, s16;
	s31 =	sor.u32 $0x60, s16  }
0xb: {  	s19 =	sor.u32 $0x70, s16;
	s25 =	simm.s32 $0x400;
	s0 =	sadd.s32 s4, s0  }
0xc: {  	[dreg:$0x5] =	wrdreg s28;
	s6 =	sadd.s32 s2, s26;
	s7 =	sadd.s32 s3, s26  }
0xd: {  	v38 =	vlaneseq.u32;
	v5 =	vimm.s32 $0x7654321;
	s8 =	sadd.s32 s2, s29;
	s9 =	sadd.s32 s3, s29;
	s10 =	sadd.s32 s2, s11  }
0xe: {  	v2 =	vimm.s32 $0x32107654;
	v39 =	vor.u32 $0x20, v38;
	v7 =	vunpack.c.l.s4.s8 v5;
	s11 =	sadd.s32 s3, s11;
	s12 =	sadd.s32 s2, s30;
	s13 =	sadd.s32 s3, s30  }
0xf: {  	v3 =	vimm.s32 $0x10765432;
	v48 =	vor.u32 $0x10, v38;
	v41 =	vor.u32 $0x30, v38;
	[tilespmem:$0x1FFD0] =	vst v39;
	s14 =	sadd.s32 s2, s15;
	s15 =	sadd.s32 s3, s15;
	s16 =	sadd.s32 s2, s31  }
0x10: {  	v4 =	vunpack.c.l.s4.s8 v2;
	v6 =	vunpack.c.l.s4.s8 v3;
	[tilespmem:$0x1FFE0] =	vst v41;
	v9 =	vunpack.c.0.s8.s32 v7;
	s17 =	sadd.s32 s3, s31;
	s18 =	sadd.s32 s2, s19;
	s19 =	sadd.s32 s3, s19  }
0x11: {  	vm0 =	vmmov $0xff;
	[tilespmem:$0x1FFF0] =	vst v48;
	s20 =	smax.u32 s1, $0x1;
	s2 =	simm.s32 $0x2;
	s0 =	sadd.s32 $0xC00, s0  }
0x12: {  	v56 =	vmul.u32 $0x100, v38;
	v57 =	vunpack.c.0.s8.s32 v4;
	v62 =	vunpack.c.0.s8.s32 v6;
	s26 =	simm.s32 $0x0;
	[tilespmem:$0x1FFC0] =	vst v9;
	[dreg:$0x4] =	wrdreg s0;
	s0 =	simm.s32 $0x1  }
.LBB2_1:
0x13: {  	s1 =	simm.s32 $0x0;
	s3 =	rddreg [dreg:$0x4]  }
0x14: {  	[tilespmem:s1], [sflag:$0x3] =	stream.linear.gather [hbm4b:s3+s1], $0x8000, $0x38;
	[tilespmem:$0x9000] =	vst v63  }
0x15: {  	_ =	swait.ge [sflag:s21], $0x8000  }
0x16: {  	[sflag:s21] =	ssyncset.done $0x0  }
0x17: {  	s3 =	simm.s32 $0x180;
	[sflag:s21] =	ssyncadd.s32 $0xFFFF8000  }
0x18: {  	v8 =	vld [tilespmem:s3+$0xFFFFFE80]  }
0x19: {  	v9 =	vld [tilespmem:s3+$0x0]  }
0x1a: {  	v10 =	vld [tilespmem:s3+$0xFFFFFFB0]  }
0x1b: {  	v11 =	vld [tilespmem:s3+$0xFFFFFFA0]  }
0x1c: {  	v12 =	vld [tilespmem:s3+$0xFFFFFF30]  }
0x1d: {  	v13 =	vld [tilespmem:s3+$0xA0];
	(xrf1) =	vsort.dscd.msk.f32 $0xffff, v8, v38  }
0x1e: {  	v2 =	vld [tilespmem:s3+$0xFFFFFF80];
	(xrf1) =	vsort.dscd.msk.f32 $0xffff, v9, v38  }
0x1f: {  	v3 =	vld [tilespmem:s3+$0xFFFFFE90];
	(xrf1) =	vsort.ascd.msk.f32 $0xffff, v10, v41  }
0x20: {  	v4 =	vld [tilespmem:s3+$0x110];
	(xrf1) =	vsort.dscd.msk.f32 $0xffff, v11, v39  }
0x21: {  	v5 =	vld [tilespmem:s3+$0x130];
	(xrf1) =	vsort.ascd.msk.f32 $0xffff, v12, v41  }
0x22: {  	v12 =	vld [tilespmem:s3+$0x80];
	(xrf1) =	vsort.dscd.msk.f32 $0xffff, v13, v39  }
0x23: {  	v13 =	vld [tilespmem:s3+$0x20];
	(xrf1) =	vsort.dscd.msk.f32 $0xffff, v2, v38  }
0x24: {  	v32 =	vld [tilespmem:s3+$0x10];
	(xrf1) =	vsort.ascd.msk.f32 $0xffff, v3, v48  }
0x25: {  	v33 =	vld [tilespmem:s3+$0xB0];
	(xrf1) =	vsort.ascd.msk.f32 $0xffff, v4, v48  }
0x26: {  	v34 =	vld [tilespmem:s3+$0x100];
	(xrf1) =	vsort.ascd.msk.f32 $0xffff, v5, v41  }
0x27: {  	v35 =	vld [tilespmem:s3+$0x30];
	(xrf1) =	vsort.dscd.msk.f32 $0xffff, v12, v38  }
0x28: {  	v12 =	vld [tilespmem:s3+$0x120];
	(xrf1) =	vsort.dscd.msk.f32 $0xffff, v13, v39  }
0x29: {  	v13 =	vld [tilespmem:s3+$0xFFFFFF00];
	(xrf1) =	vsort.ascd.msk.f32 $0xffff, v32, v48  }
0x2a: {  	v36 =	vld [tilespmem:s3+$0xFFFFFF10];
	(xrf1) =	vsort.ascd.msk.f32 $0xffff, v33, v41  }
0x2b: {  	v15 =	vld [tilespmem:s3+$0xFFFFFF20];
	v37, v14, _ =	vpop (xrf1);
	(xrf1) =	vsort.dscd.msk.f32 $0xffff, v34, v38  }
0x2c: {  	v16, v17, _ =	vpop (xrf1);
	(xrf1) =	vsort.ascd.msk.f32 $0xffff, v35, v41  }
0x2d: {  	v18, v19, _ =	vpop (xrf1);
	(xrf1) =	vsort.dscd.msk.f32 $0xffff, v12, v39  }
0x2e: {  	v40 =	vld [tilespmem:s3+$0xFFFFFEA0];
	(xrf1) =	vsort.dscd.msk.f32 $0xffff, v13, v38;
	v12, v13, _ =	vpop (xrf1)  }
0x2f: {  	v42 =	vld [tilespmem:s3+$0xFFFFFEB0];
	(xrf1) =	vsort.ascd.msk.f32 $0xffff, v36, v48;
	v43, v21, _ =	vpop (xrf1)  }
0x30: {  	(xrf1) =	vsort.dscd.msk.f32 $0xffff, v15, v39;
	v15, v22, _ =	vpop (xrf1)  }
0x31: {  	v20 =	vld [tilespmem:s3+$0x90];
	v44, v24, _ =	vpop (xrf1)  }
0x32: {  	v25, v26, _ =	vpop (xrf1)  }
0x33: {  	v23 =	vld [tilespmem:s3+$0xFFFFFF90];
	(xrf1) =	vsort.dscd.msk.f32 $0xffff, v40, v39;
	v14 =	vsel vm0, v14, v26  }
0x34: {  	(xrf1) =	vsort.ascd.msk.f32 $0xffff, v42, v41;
	v9 =	vsel vm0, v37, v25  }
0x35: {  	v45, v27, _ =	vpop (xrf1)  }
0x36: {  	(xrf1) =	vsort.ascd.msk.f32 $0xffff, v20, v48;
	v20, v25, _ =	vpop (xrf1)  }
0x37: {  	(xrf1) =	vsort.dscd.msk.f32 $0xffff, v9, v14;
	v9, v14, _ =	vpop (xrf1)  }
0x38: {  	(xrf1) =	vsort.ascd.msk.f32 $0xffff, v23, v48;
	v23, v26, _ =	vpop (xrf1)  }
0x39: {  	v28, v29, _ =	vpop (xrf1)  }
0x3a: {  	v30, v31, _ =	vpop (xrf1)  }
0x3b: {  	v32, v33, _ =	vpop (xrf1);
	v22 =	vsel vm0, v22, v31  }
0x3c: {  	v17 =	vsel vm0, v17, v29;
	v15 =	vsel vm0, v15, v30;
	v34, v35, _ =	vpop (xrf1)  }
0x3d: {  	v16 =	vsel vm0, v16, v28;
	v27 =	vsel vm0, v33, v27;
	v36, v37, _ =	vpop (xrf1)  }
0x3e: {  	v11 =	vsel vm0, v32, v45;
	v30, v31, _ =	vpop (xrf1);
	v25 =	vsel vm0, v37, v25  }
0x3f: {  	(xrf1) =	vsort.ascd.msk.f32 $0xffff, v15, v22;
	v15, v22, _ =	vpop (xrf1)  }
0x40: {  	(xrf1) =	vsort.dscd.msk.f32 $0xffff, v16, v17;
	v16, v17, _ =	vpop (xrf1)  }
0x41: {  	v20 =	vsel vm0, v36, v20;
	(xrf1) =	vsort.dscd.msk.f32 $0xffff, v11, v27;
	v11, v27, _ =	vpop (xrf1)  }
0x42: {  	v15 =	vsel vm0, v30, v15;
	(xrf1) =	vsort.ascd.msk.f32 $0xffff, v20, v25;
	v20 =	vsel vm0, v31, v22;
	v22, v25, _ =	vpop (xrf1)  }
0x43: {  	(xrf1) =	vsort.dscd.msk.f32 $0xffff, v15, v20;
	v11 =	vsel vm0, v11, v22;
	v15 =	vsel vm0, v27, v25  }
0x44: {  	(xrf1) =	vsort.ascd.msk.f32 $0xffff, v11, v15  }
0x45: {  	v8 =	vsel vm0, v16, v43;
	v16 =	vsel vm0, v17, v21;
	_ =	sdelay $0x1  }
0x46: {  	v11, v15, _ =	vpop (xrf1)  }
0x47: {  	v17 =	vsel vm0, v23, v34;
	v20 =	vsel vm0, v26, v35;
	(xrf1) =	vsort.ascd.msk.f32 $0xffff, v8, v16;
	v21, v22, _ =	vpop (xrf1)  }
0x48: {  	v46 =	vsel vm0, v12, v18;
	v12 =	vsel vm0, v13, v19;
	(xrf1) =	vsort.ascd.msk.f32 $0xffff, v17, v20;
	v13, v16, _ =	vpop (xrf1)  }
0x49: {  	(xrf1) =	vsort.ascd.msk.f32 $0xffff, v46, v12;
	v10 =	vsel vm0, v44, v13;
	v13 =	vsel vm0, v24, v16  }
0x4a: {  	(xrf1) =	vsort.dscd.msk.f32 $0xffff, v10, v13  }
0x4b: {  	v47 =	vsel vm0, v9, v11;
	v49 =	vsel vm0, v14, v15  }
0x4c: {  	v8, v9, _ =	vpop (xrf1);
	(xrf1) =	vsort.dscd.msk.f32 $0xffff, v47, v49  }
0x4d: {  	v51, v50, _ =	vpop (xrf1)  }
0x4e: {  	v12, v13, _ =	vpop (xrf1)  }
0x4f: {  	v14, v15, _ =	vpop (xrf1)  }
0x50: {  	v16, v17, _ =	vpop (xrf1)  }
0x51: {  	v12 =	vsel vm0, v12, v14;
	v13 =	vsel vm0, v13, v15;
	v14, v15, _ =	vpop (xrf1)  }
0x52: {  	(xrf1) =	vsort.dscd.msk.f32 $0xffff, v12, v13;
	v13 =	vsel vm0, v22, v15  }
0x53: {  	v12 =	vsel vm0, v21, v14  }
0x54: {  	(xrf1) =	vsort.dscd.msk.f32 $0xffff, v12, v13  }
0x55: {  	v14, v15, _ =	vpop (xrf1)  }
0x56: {  	s4 =	simm.s32 $0x480;
	v12, v13, _ =	vpop (xrf1)  }
0x57: {  	v52 =	vld [tilespmem:s4+$0x0];
	v10 =	vsel vm0, v51, v12;
	v12, v18, _ =	vpop (xrf1)  }
0x58: {  	v14 =	vsel vm0, v16, v14;
	v15 =	vsel vm0, v17, v15;
	v11 =	vsel vm0, v50, v13;
	v13 =	vld [tilespmem:s4+$0xFFFFFE80];
	v16, v17, _ =	vpop (xrf1)  }
0x59: {  	v54 =	vld [tilespmem:s4+$0xFFFFFFA0];
	(xrf1) =	vsort.dscd.msk.f32 $0xffff, v10, v11  }
0x5a: {  	v53 =	vsel vm0, v16, v12;
	v17 =	vsel vm0, v17, v18;
	(xrf1) =	vsort.dscd.msk.f32 $0xffff, v14, v15;
	v14 =	vld [tilespmem:s4+$0xFFFFFFB0];
	v12, v16, _ =	vpop (xrf1)  }
0x5b: {  	v55 =	vld [tilespmem:s4+$0xFFFFFF30];
	(xrf1) =	vsort.dscd.msk.f32 $0xffff, v53, v17;
	v8 =	vsel vm0, v12, v8;
	v9 =	vsel vm0, v16, v9  }
0x5c: {  	v58 =	vld [tilespmem:s4+$0xA0];
	(xrf1) =	vsort.dscd.msk.f32 $0xffff, v8, v9  }
0x5d: {  	v59 =	vld [tilespmem:s4+$0x130];
	(xrf1) =	vsort.dscd.msk.f32 $0xffff, v13, v38  }
0x5e: {  	v12 =	vld [tilespmem:s4+$0xFFFFFF80];
	(xrf1) =	vsort.dscd.msk.f32 $0xffff, v52, v38  }
0x5f: {  	v13 =	vld [tilespmem:s4+$0xFFFFFE90];
	(xrf1) =	vsort.ascd.msk.f32 $0xffff, v14, v41  }
0x60: {  	v15 =	vld [tilespmem:s4+$0x110];
	(xrf1) =	vsort.dscd.msk.f32 $0xffff, v54, v39  }
0x61: {  	v19 =	vld [tilespmem:s4+$0x20];
	v2, v60, _ =	vpop (xrf1);
	(xrf1) =	vsort.ascd.msk.f32 $0xffff, v55, v41  }
0x62: {  	v16 =	vld [tilespmem:s4+$0x80];
	v1, v0, _ =	vpop (xrf1);
	(xrf1) =	vsort.dscd.msk.f32 $0xffff, v58, v39  }
0x63: {  	v20 =	vld [tilespmem:s4+$0x10];
	[tilespmem:$0x1FF90] =	vst v0;
	(xrf1) =	vsort.dscd.msk.f32 $0xffff, v12, v38  }
0x64: {  	v21 =	vld [tilespmem:s4+$0xB0];
	(xrf1) =	vsort.ascd.msk.f32 $0xffff, v13, v48  }
0x65: {  	[tilespmem:$0x1FFA0] =	vst v1;
	v12 =	vld [tilespmem:$0x1FFC0];
	(xrf1) =	vsort.ascd.msk.f32 $0xffff, v15, v48  }
0x66: {  	v13 =	vmul.f32 v1, v1;
	v22 =	vld [tilespmem:s4+$0x100];
	(xrf1) =	vsort.ascd.msk.f32 $0xffff, v59, v41  }
0x67: {  	v23 =	vld [tilespmem:s4+$0x30];
	v4, v58, _ =	vpop (xrf1);
	(xrf1) =	vsort.dscd.msk.f32 $0xffff, v16, v38  }
0x68: {  	v25 =	vld [tilespmem:s4+$0x120];
	v24 =	vperm.xlane v13, v57;
	v18, v59, _ =	vpop (xrf1);
	(xrf1) =	vsort.dscd.msk.f32 $0xffff, v19, v39  }
0x69: {  	v1, v61, _ =	vpop (xrf1);
	v19 =	vld [tilespmem:s4+$0xFFFFFF00];
	(xrf1) =	vsort.ascd.msk.f32 $0xffff, v20, v48  }
0x6a: {  	v26 =	vld [tilespmem:s4+$0xFFFFFF10];
	v24 =	vadd.f32 v13, v24;
	v20, v63, _ =	vpop (xrf1);
	(xrf1) =	vsort.ascd.msk.f32 $0xffff, v21, v41  }
0x6b: {  	v28 =	vld [tilespmem:s4+$0xFFFFFF20];
	v21, v27, _ =	vpop (xrf1);
	(xrf1) =	vsort.dscd.msk.f32 $0xffff, v22, v38  }
0x6c: {  	v29 =	vld [tilespmem:s4+$0xFFFFFEA0];
	v22 =	vperm.xlane v24, v62;
	v30, v31, _ =	vpop (xrf1);
	(xrf1) =	vsort.ascd.msk.f32 $0xffff, v23, v41  }
0x6d: {  	v32, v33, _ =	vpop (xrf1);
	(xrf1) =	vsort.dscd.msk.f32 $0xffff, v25, v39  }
0x6e: {  	v23 =	vld [tilespmem:s4+$0xFFFFFEB0];
	v22 =	vadd.f32 v24, v22;
	(xrf1) =	vsort.dscd.msk.f32 $0xffff, v19, v38;
	v19, v25, _ =	vpop (xrf1)  }
0x6f: {  	(xrf1) =	vsort.ascd.msk.f32 $0xffff, v26, v48;
	v26, v34, _ =	vpop (xrf1)  }
0x70: {  	v5 =	vld [tilespmem:s4+$0x90];
	v24 =	vperm.xlane v22, v12;
	(xrf1) =	vsort.dscd.msk.f32 $0xffff, v28, v39;
	v28, v6, _ =	vpop (xrf1)  }
0x71: {  	(xrf1) =	vsort.dscd.msk.f32 $0xffff, v29, v39;
	v29, v37, _ =	vpop (xrf1)  }
0x72: {  	v22 =	vadd.f32 v22, v24;
	v24 =	vld [tilespmem:s4+$0xFFFFFF90];
	v8, v40, _ =	vpop (xrf1)  }
0x73: {  	(xrf1) =	vsort.ascd.msk.f32 $0xffff, v23, v41;
	v9, v42, _ =	vpop (xrf1);
	v21 =	vsel vm0, v21, v8  }
0x74: {  	v11 =	vmul.f32 v18, v18;
	v7 =	vmul.f32 v20, v20;
	v44, v45, _ =	vpop (xrf1)  }
0x75: {  	v43 =	vshra.s32 v22, $0x1;
	v46 =	vmul.f32 $5.000000000e-01, v22;
	v22 =	vsel vm0, v27, v40;
	(xrf1) =	vsort.ascd.msk.f32 $0xffff, v5, v48;
	v27, v35, _ =	vpop (xrf1)  }
0x76: {  	s28 =	simm.s32 $0x4;
	v53 =	vperm.xlane v11, v57;
	(xrf1) =	vsort.dscd.msk.f32 $0xffff, v21, v22;
	v21, v39, _ =	vpop (xrf1)  }
0x77: {  	s3 =	simm.s32 $0x2;
	v10 =	vmov s28;
	v23 =	vperm.xlane v7, v57;
	(xrf1) =	vsort.ascd.msk.f32 $0xffff, v24, v48;
	v24, v48, _ =	vpop (xrf1)  }
0x78: {  	v0 =	vmov s3;
	v32 =	vsel vm0, v19, v32;
	v19 =	vadd.f32 v11, v53;
	v51, v52, _ =	vpop (xrf1)  }
0x79: {  	v23 =	vadd.f32 v7, v23;
	v38 =	vsub.s32 $0x5F3759DF, v43;
	v28 =	vsel vm0, v28, v51  }
0x7a: {  	v47 =	vmul.f32 v38, v46;
	v24 =	vsel vm0, v30, v24;
	v30 =	vsel vm0, v31, v48;
	v54, v55, _ =	vpop (xrf1)  }
0x7b: {  	v49 =	vmul.f32 v4, v4;
	v50 =	vperm.xlane v23, v62;
	v36 =	vsel vm0, v6, v52;
	v51, v52, _ =	vpop (xrf1)  }
0x7c: {  	v17 =	vand.u32 $0x7E, v0;
	v47 =	vmul.f32 v38, v47;
	v48 =	vperm.xlane v19, v62;
	(xrf1) =	vsort.ascd.msk.f32 $0xffff, v28, v36;
	v28, v31, _ =	vpop (xrf1)  }
0x7d: {  	[tilespmem:$0x1FFB0] =	vst v4;
	v3 =	vsel vm0, v54, v9;
	v4 =	vsel vm0, v55, v42;
	(xrf1) =	vsort.dscd.msk.f32 $0xffff, v24, v30;
	v30, v5, _ =	vpop (xrf1)  }
0x7e: {  	v16 =	vand.u32 $0x7E, v10;
	(xrf1) =	vsort.dscd.msk.f32 $0xffff, v3, v4;
	v28 =	vsel vm0, v28, v44;
	v31 =	vsel vm0, v31, v45;
	v6, v7, _ =	vpop (xrf1)  }
0x7f: {  	v25 =	vsel vm0, v25, v33;
	v50 =	vadd.f32 v23, v50;
	v47 =	vsub.f32 $1.500000000e+00, v47;
	(xrf1) =	vsort.ascd.msk.f32 $0xffff, v28, v31;
	v9, v8, _ =	vpop (xrf1)  }
0x80: {  	v21 =	vsel vm0, v21, v51;
	v4 =	vadd.f32 v19, v48;
	v28 =	vmul.f32 v1, v1;
	v10, v11, _ =	vpop (xrf1)  }
0x81: {  	v31 =	vmul.f32 v38, v47;
	v30 =	vsel vm0, v30, v6;
	v42 =	vsel vm0, v5, v7;
	v54, v55, _ =	vpop (xrf1)  }
0x82: {  	s4 =	simm.s32 $0xA;
	v22 =	vadd.s32 s28, v56;
	(xrf1) =	vsort.dscd.msk.f32 $0xffff, v30, v42;
	v30 =	vsel vm0, v10, v54;
	v0 =	vsel vm0, v11, v55  }
0x83: {  	v47 =	vperm.xlane v50, v12;
	v3 =	vperm.xlane v28, v57;
	(xrf1) =	vsort.ascd.msk.f32 $0xffff, v30, v0;
	v30 =	vadd.s32 s4, v56  }
0x84: {  	v7 =	vsel vm0, v39, v52;
	v26 =	vsel vm0, v9, v26;
	v34 =	vsel vm0, v8, v34;
	v5, v6, _ =	vpop (xrf1)  }
0x85: {  	v14 =	vand.u32 $0x1F80, v22;
	v28 =	vadd.f32 v28, v3;
	v11 =	vperm.xlane v4, v12;
	v9, v8, _ =	vpop (xrf1);
	(xrf1) =	vsort.ascd.msk.f32 $0xffff, v26, v34  }
0x86: {  	v27 =	vsel vm0, v27, v5;
	v26 =	vmul.f32 v31, v46;
	v24 =	vand.u32 $0x1F80, v30;
	(xrf1) =	vsort.ascd.msk.f32 $0xffff, v21, v7;
	v30, v10, _ =	vpop (xrf1)  }
0x87: {  	v45 =	vadd.s32 s3, v56;
	(xrf1) =	vsort.ascd.msk.f32 $0xffff, v32, v25;
	v29 =	vsel vm0, v29, v30;
	v30 =	vsel vm0, v37, v10  }
0x88: {  	v53 =	vmovc v1;
	v1 =	vmov s4;
	v26 =	vmul.f32 v26, v31;
	(xrf1) =	vsort.dscd.msk.f32 $0xffff, v29, v30;
	v30 =	vperm.xlane v28, v62  }
0x89: {  	v48 =	vsel vm0, v35, v6;
	v32 =	vadd.f32 v50, v47;
	v29 =	vadd.f32 v4, v11  }
0x8a: {  	v52 =	vmul.f32 v2, v2;
	v5 =	vperm.xlane v49, v57;
	v26 =	vsub.f32 $1.500000000e+00, v26;
	v34, v36, _ =	vpop (xrf1);
	(xrf1) =	vsort.dscd.msk.f32 $0xffff, v27, v48  }
0x8b: {  	v44 =	vand.u32 $0x1F80, v45;
	v35 =	vmul.f32 $5.000000000e-01, v32;
	v27, v33, _ =	vpop (xrf1);
	v37 =	vmul.f32 $5.000000000e-01, v29  }
0x8c: {  	v28 =	vadd.f32 v28, v30;
	v29 =	vshra.s32 v29, $0x1;
	v26 =	vmul.f32 v26, v31;
	v30, v31, _ =	vpop (xrf1)  }
0x8d: {  	v32 =	vshra.s32 v32, $0x1;
	v41 =	vsub.s32 $0x5F3759DF, v29;
	v29 =	vperm.xlane v52, v57;
	v55, v54, _ =	vpop (xrf1)  }
0x8e: {  	v0 =	vmul.f32 v26, v46;
	v30 =	vsel vm0, v30, v55;
	v31 =	vsel vm0, v31, v54  }
0x8f: {  	v23 =	vmovc v2;
	v21 =	vand.u32 $0x7E, v1;
	v47 =	vsub.s32 $0x5F3759DF, v32;
	v51 =	vperm.xlane v28, v12;
	(xrf1) =	vsort.dscd.msk.f32 $0xffff, v30, v31  }
0x90: {  	v48 =	vadd.f32 v49, v5;
	v40 =	vadd.f32 v52, v29;
	v32 =	vmul.f32 v0, v26;
	v2, v1, _ =	vpop (xrf1)  }
0x91: {  	v28 =	vadd.f32 v28, v51;
	v30 =	vmul.f32 v47, v35;
	v31 =	vmul.f32 v41, v37;
	v4, v3, _ =	vpop (xrf1)  }
0x92: {  	s28 =	simm.s32 $0x8;
	v5 =	vperm.xlane v40, v62;
	v38 =	vsel vm0, v9, v4;
	v6 =	vsel vm0, v8, v3  }
0x93: {  	v25 =	vmov s28;
	v30 =	vmul.f32 v47, v30;
	v31 =	vmul.f32 v41, v31;
	v29, v7, _ =	vpop (xrf1);
	(xrf1) =	vsort.dscd.msk.f32 $0xffff, v38, v6  }
0x94: {  	v40 =	vadd.f32 v40, v5;
	v8 =	vshra.s32 v28, $0x1;
	v43 =	vsel vm0, v2, v29  }
0x95: {  	v29 =	vmul.f32 $5.000000000e-01, v28;
	v42 =	vsel vm0, v1, v7;
	v28, v9, _ =	vpop (xrf1);
	v7 =	vperm.xlane v48, v62  }
0x96: {  	v46 =	vsub.s32 $0x5F3759DF, v8;
	v27 =	vsel vm0, v27, v28;
	v28, v10, _ =	vpop (xrf1);
	v33 =	vsel vm0, v33, v9  }
0x97: {  	v25 =	vand.u32 $0x7E, v25;
	v4 =	vmul.f32 v46, v29;
	(xrf1) =	vsort.dscd.msk.f32 $0xffff, v27, v33;
	v39 =	vadd.f32 v48, v7;
	v3, v11, _ =	vpop (xrf1)  }
0x98: {  	v31 =	vsub.f32 $1.500000000e+00, v31;
	(xrf1) =	vsort.dscd.msk.f32 $0xffff, v43, v42;
	v6 =	vsel vm0, v3, v28;
	v27 =	vsel vm0, v11, v10;
	v10, v11, _ =	vpop (xrf1)  }
0x99: {  	v32 =	vsub.f32 $1.500000000e+00, v32;
	v9 =	vmul.f32 v46, v4;
	(xrf1) =	vsort.dscd.msk.f32 $0xffff, v6, v27;
	v27 =	vsel vm0, v10, v34  }
0x9a: {  	v8 =	vsub.f32 $1.500000000e+00, v30;
	v55 =	vperm.xlane v40, v12;
	v33 =	vmul.f32 v41, v31  }
0x9b: {  	v41 =	vmul.f32 v32, v26;
	v54 =	vperm.xlane v39, v12;
	v31 =	vsub.f32 $1.500000000e+00, v9  }
0x9c: {  	s29 =	simm.s32 $0x6;
	v43 =	vmul.f32 v47, v8;
	v52 =	vsel vm0, v11, v36;
	v36 =	vadd.f32 v40, v55  }
0x9d: {  	s31 =	simm.s32 $0xC;
	s30 =	simm.s32 $0x0;
	s1 =	simm.s32 $0x780;
	v28 =	vadd.s32 s28, v56;
	(xrf1) =	vsort.dscd.msk.f32 $0xffff, v27, v52;
	v34 =	vadd.f32 v39, v54;
	v32 =	vmul.f32 v46, v31;
	v26, v27, _ =	vpop (xrf1)  }
.LBB2_2:
0x9e: {  	v38 =	vld [tilespmem:s1+$0xFFFFFE80]  }
0x9f: {  	v8 =	vmov v28;
	v28 =	vld [tilespmem:s1+$0x0];
	v40 =	vmul.f32 v33, v37  }
0xa0: {  	v0 =	vmov v21;
	v46 =	vld [tilespmem:s1+$0xFFFFFFA0];
	v21 =	vshra.s32 v36, $0x1;
	v50 =	vmul.f32 $5.000000000e-01, v36  }
0xa1: {  	v7 =	vld [tilespmem:$0x1FFE0];
	v21 =	vsub.s32 $0x5F3759DF, v21;
	v9 =	vmul.f32 v40, v33;
	v49, v45, _ =	vpop (xrf1)  }
0xa2: {  	[tilespmem:$0x1FF30] =	vst v53;
	v31 =	vor.u32 v17, v44;
	v40 =	vld [tilespmem:s1+$0xFFFFFFB0];
	v10 =	vmul.f32 v21, v50;
	v44 =	vmul.f32 v49, v49  }
0xa3: {  	[tilespmem:$0x1FF60] =	vst v58;
	v4 =	vlaneseq.u32;
	v6 =	vld [tilespmem:$0x1FFD0];
	v19 =	vshra.s32 v34, $0x1;
	v47 =	vmul.f32 $5.000000000e-01, v34  }
0xa4: {  	s3 =	smov.u32 s31;
	v54 =	vld [tilespmem:s1+$0xFFFFFF30];
	v52 =	vsub.s32 $0x5F3759DF, v19;
	v19 =	vmul.f32 v43, v35;
	(xrf1) =	vsort.dscd.msk.f32 $0xffff, v38, v4;
	v38 =	vperm.xlane v44, v57  }
0xa5: {  	v17 =	vmov v25;
	v25 =	vld [tilespmem:s1+$0xA0];
	[tilespmem:$0x1FF80] =	vst v8;
	s4 =	sadd.s32 $0x4, s3;
	v11 =	vmul.f32 v52, v47  }
0xa6: {  	v55 =	vmov s4;
	v19 =	vmul.f32 v19, v43;
	v36 =	vsub.f32 $1.500000000e+00, v9;
	(xrf1) =	vsort.dscd.msk.f32 $0xffff, v28, v4  }
0xa7: {  	v58 =	vld [tilespmem:s1+$0xFFFFFF80];
	v8 =	vadd.s32 s4, v56;
	v1 =	vmul.f32 v21, v10;
	v28 =	vmul.f32 v52, v11;
	v42, v10, _ =	vpop (xrf1);
	(xrf1) =	vsort.ascd.msk.f32 $0xffff, v40, v7  }
0xa8: {  	v5 =	vld [tilespmem:s1+$0x80];
	v53 =	vsub.f32 $1.500000000e+00, v19;
	[tilespmem:$0x1FF70] =	vst v10;
	v10 =	vadd.f32 v44, v38;
	v44, v40, _ =	vpop (xrf1);
	(xrf1) =	vsort.dscd.msk.f32 $0xffff, v46, v6  }
0xa9: {  	v9 =	vld [tilespmem:s1+$0xFFFFFE90];
	v48 =	vmul.f32 v36, v33;
	v11 =	vsub.f32 $1.500000000e+00, v1;
	[tilespmem:$0x1FF50] =	vst v40;
	v40, v38, _ =	vpop (xrf1);
	(xrf1) =	vsort.ascd.msk.f32 $0xffff, v54, v7  }
0xaa: {  	s4 =	sadd.s32 $0x2, s3;
	v36 =	vmovc v61;
	v61 =	vsub.f32 $1.500000000e+00, v28;
	v28 =	vperm.xlane v10, v62;
	(xrf1) =	vsort.dscd.msk.f32 $0xffff, v25, v6;
	v25 =	vmov v18;
	v18 =	vld [tilespmem:$0x1FFF0]  }
0xab: {  	[tilespmem:$0x1FF40] =	vst v59;
	v15 =	vmovc v24;
	v22 =	vmovc v57;
	v39 =	vor.u32 v16, v14;
	v57 =	vld [tilespmem:s1+$0x110];
	v53 =	vmul.f32 v53, v43;
	v46 =	vmov s4  }
0xac: {  	v30 =	vmovc v27;
	v14 =	vmovc v23;
	v23 =	vmov v56;
	v43 =	vld [tilespmem:s1+$0x130];
	v59 =	vmul.f32 v21, v11;
	v56 =	vadd.f32 v10, v28  }
0xad: {  	[tilespmem:$0x1FF20] =	vst v0;
	v34 =	vmovc v60;
	v0 =	vld [tilespmem:s1+$0x20];
	v24 =	vand.u32 $0x1F80, v8;
	v35 =	vmul.f32 v53, v35;
	v54 =	vmul.f32 v48, v37  }
0xae: {  	v60 =	vld [tilespmem:s1+$0xFFFFFF00];
	v27 =	vand.u32 $0x7E, v46;
	v11 =	vmul.f32 v59, v50;
	(xrf1) =	vsort.dscd.msk.f32 $0xffff, v58, v4;
	v46, v37, _ =	vpop (xrf1);
	v2 =	vperm.xlane v56, v12  }
0xaf: {  	v16 =	vand.u32 $0x7E, v55;
	v52 =	vmul.f32 v52, v61;
	v58 =	vld [tilespmem:s1+$0x10];
	v1 =	vmul.f32 v46, v46;
	(xrf1) =	vsort.ascd.msk.f32 $0xffff, v9, v18  }
0xb0: {  	v8 =	vld [tilespmem:s1+$0xB0];
	v21 =	vmovc v63;
	v63 =	vmul.f32 v11, v59;
	v55 =	vadd.f32 v56, v2;
	(xrf1) =	vsort.ascd.msk.f32 $0xffff, v57, v18  }
0xb1: {  	v61 =	vld [tilespmem:s1+$0x100];
	v11 =	vmul.f32 v52, v47;
	v3 =	vperm.xlane v1, v22;
	(xrf1) =	vsort.ascd.msk.f32 $0xffff, v43, v7  }
0xb2: {  	v35 =	vmul.f32 v35, v53;
	v10 =	vld [tilespmem:s1+$0x30];
	v2 =	vshra.s32 v55, $0x1;
	(xrf1) =	vsort.dscd.msk.f32 $0xffff, v5, v4  }
0xb3: {  	v5 =	vsub.f32 $1.500000000e+00, v63;
	v63 =	vld [tilespmem:s1+$0x120];
	(xrf1) =	vsort.dscd.msk.f32 $0xffff, v0, v6;
	v0 =	vadd.f32 v1, v3;
	v3 =	vmul.f32 v11, v52  }
0xb4: {  	v19 =	vmov v62;
	v62 =	vmul.f32 v44, v44;
	v56 =	vld [tilespmem:s1+$0xFFFFFF10];
	(xrf1) =	vsort.ascd.msk.f32 $0xffff, v58, v18  }
0xb5: {  	v35 =	vsub.f32 $1.500000000e+00, v35;
	v43 =	vmul.f32 $5.000000000e-01, v55;
	v11, v12, _ =	vpop (xrf1);
	v57 =	vmul.f32 v5, v59;
	v5 =	vld [tilespmem:$0x1FFA0];
	(xrf1) =	vsort.ascd.msk.f32 $0xffff, v8, v7  }
0xb6: {  	v59 =	vld [tilespmem:s1+$0xFFFFFF20];
	v8 =	vsub.s32 $0x5F3759DF, v2;
	v58 =	vperm.xlane v0, v19;
	v55 =	vsub.f32 $1.500000000e+00, v3;
	(xrf1) =	vsort.dscd.msk.f32 $0xffff, v61, v4  }
0xb7: {  	v13 =	vld [tilespmem:s1+$0xFFFFFEA0];
	v1, v2, _ =	vpop (xrf1);
	v61 =	vmul.f32 v8, v43;
	(xrf1) =	vsort.ascd.msk.f32 $0xffff, v10, v7;
	v10 =	vmul.f32 v54, v48  }
0xb8: {  	v53 =	vmul.f32 v35, v53;
	v54 =	vmul.f32 v57, v50;
	v50, v3, _ =	vpop (xrf1);
	(xrf1) =	vsort.dscd.msk.f32 $0xffff, v63, v6  }
0xb9: {  	v51 =	vld [tilespmem:s1+$0xFFFFFEB0];
	v35 =	vadd.f32 v0, v58;
	v61 =	vmul.f32 v8, v61;
	(xrf1) =	vsort.dscd.msk.f32 $0xffff, v60, v4;
	v60, v4, _ =	vpop (xrf1);
	v0 =	vsub.f32 $1.500000000e+00, v10  }
0xba: {  	v10 =	vmul.f32 v55, v52;
	v41 =	vmul.f32 v41, v5;
	v5 =	vmov v49;
	(xrf1) =	vsort.ascd.msk.f32 $0xffff, v56, v18;
	v55, v56, _ =	vpop (xrf1)  }
0xbb: {  	v9 =	vperm.xlane v62, v22;
	v63 =	vor.u32 s30, v23;
	v50 =	vsel vm0, v60, v50;
	(xrf1) =	vsort.dscd.msk.f32 $0xffff, v59, v6;
	v59, v60, _ =	vpop (xrf1)  }
0xbc: {  	v52 =	vld [tilespmem:s1+$0x90];
	v58 =	vsub.f32 $1.500000000e+00, v61;
	v3 =	vsel vm0, v4, v3;
	(xrf1) =	vsort.dscd.msk.f32 $0xffff, v13, v6;
	v4, v13, _ =	vpop (xrf1)  }
0xbd: {  	v9 =	vadd.f32 v62, v9;
	v49 =	vld [tilespmem:s1+$0xFFFFFF90];
	v54 =	vmul.f32 v54, v57;
	[tilespmem:$0x1FFA0] =	vst v5;
	v5, v62, _ =	vpop (xrf1)  }
0xbe: {  	(xrf1) =	vsort.ascd.msk.f32 $0xffff, v51, v7;
	v51 =	vmul.f32 v40, v40;
	v6 =	vsel vm0, v12, v62;
	v62 =	vld [tilespmem:$0x1FF90];
	_ =	sdelay $0x1  }
0xbf: {  	v0 =	vmul.f32 v0, v48;
	v48 =	vsub.f32 $1.500000000e+00, v54;
	[tilespmem:v63+s22+$0x0] =	vst.idx.msk $0xff, v41;
	v41, v61, _ =	vpop (xrf1);
	v54 =	vperm.xlane v51, v22  }
0xc0: {  	v8 =	vmul.f32 v8, v58;
	v7 =	vsel vm0, v11, v5;
	(xrf1) =	vsort.ascd.msk.f32 $0xffff, v52, v18;
	v52, v58, _ =	vpop (xrf1)  }
0xc1: {  	(xrf1) =	vsort.dscd.msk.f32 $0xffff, v7, v6;
	v11, v12, _ =	vpop (xrf1)  }
0xc2: {  	(xrf1) =	vsort.ascd.msk.f32 $0xffff, v49, v18;
	[tilespmem:v63+s23+$0x0] =	vst.idx.msk $0xff, v62;
	v63 =	vmov v45;
	v45, v49, _ =	vpop (xrf1)  }
0xc3: {  	[tilespmem:$0x1FF90] =	vst v63;
	v63 =	vmul.f32 v32, v29;
	v5, v6, _ =	vpop (xrf1)  }
0xc4: {  	v20 =	vmul.f32 v53, v20;
	v51 =	vadd.f32 v51, v54;
	v53, v54, _ =	vpop (xrf1)  }
0xc5: {  	v2 =	vsel vm0, v2, v6;
	v6 =	vsel vm0, v60, v54;
	v60 =	vmul.f32 v63, v32  }
0xc6: {  	v47 =	vmul.f32 v10, v47;
	v0 =	vmul.f32 v0, v25;
	v25 =	vmovc v27;
	v1 =	vsel vm0, v1, v5  }
0xc7: {  	v7 =	vperm.xlane v9, v19;
	v62 =	vmul.f32 v8, v43;
	v5 =	vsel vm0, v59, v53;
	v18, v53, _ =	vpop (xrf1)  }
0xc8: {  	v18 =	vsel vm0, v18, v41;
	v41, v59, _ =	vpop (xrf1);
	(xrf1) =	vsort.ascd.msk.f32 $0xffff, v5, v6;
	v63 =	vsel vm0, v53, v61;
	v27 =	vsub.f32 $1.500000000e+00, v60  }
0xc9: {  	v47 =	vmul.f32 v47, v10;
	v7 =	vadd.f32 v9, v7;
	(xrf1) =	vsort.dscd.msk.f32 $0xffff, v1, v2;
	v1, v2, _ =	vpop (xrf1)  }
0xca: {  	v54 =	vmul.f32 v62, v8;
	v2 =	vsel vm0, v2, v58;
	v6 =	vmul.f32 v27, v32;
	v58, v60, _ =	vpop (xrf1)  }
0xcb: {  	[tilespmem:v39+s22+$0x0] =	vst.idx.msk $0xff, v20;
	v5 =	vsub.f32 $1.500000000e+00, v47;
	v47 =	vmul.f32 v48, v57;
	v9 =	vsel vm0, v45, v41;
	v41, v45, _ =	vpop (xrf1)  }
0xcc: {  	v62 =	vmov v19;
	v19 =	vld [tilespmem:$0x1FFC0];
	v1 =	vsel vm0, v1, v52;
	(xrf1) =	vsort.dscd.msk.f32 $0xffff, v18, v63;
	v29 =	vmul.f32 v6, v29;
	v61, v63, _ =	vpop (xrf1)  }
0xcd: {  	v20 =	vmov v46;
	v32 =	vsel vm0, v58, v41;
	(xrf1) =	vsort.ascd.msk.f32 $0xffff, v1, v2;
	v52 =	vsel vm0, v60, v45;
	v60, v53, _ =	vpop (xrf1)  }
0xce: {  	v1 =	vmul.f32 v47, v14;
	v2 =	vsel vm0, v61, v55;
	v46 =	vsel vm0, v63, v56;
	v63, v61, _ =	vpop (xrf1)  }
0xcf: {  	v14 =	vmovc v15;
	(xrf1) =	vsort.dscd.msk.f32 $0xffff, v32, v52;
	v48 =	vsel vm0, v60, v63;
	v15 =	vsel vm0, v53, v61  }
0xd0: {  	v52, v53, _ =	vpop (xrf1);
	(xrf1) =	vsort.ascd.msk.f32 $0xffff, v48, v15  }
0xd1: {  	v41 =	vsel vm0, v49, v59;
	v47 =	vperm.xlane v35, v19;
	v32, v49, _ =	vpop (xrf1);
	(xrf1) =	vsort.ascd.msk.f32 $0xffff, v2, v46  }
0xd2: {  	v27 =	vmul.f32 v29, v6;
	v58 =	vsel vm0, v12, v53;
	v12, v29, _ =	vpop (xrf1);
	(xrf1) =	vsort.ascd.msk.f32 $0xffff, v9, v41  }
0xd3: {  	v19 =	vld [tilespmem:$0x1FFC0];
	v4 =	vsel vm0, v4, v12;
	v46 =	vsel vm0, v13, v29;
	(xrf1) =	vsort.ascd.msk.f32 $0xffff, v50, v3  }
0xd4: {  	v11 =	vsel vm0, v11, v52;
	(xrf1) =	vsort.dscd.msk.f32 $0xffff, v4, v46  }
0xd5: {  	v28 =	vadd.s32 s4, v23;
	s4 =	sadd.s32 $0x5, s30;
	v56 =	vmov v23;
	(xrf1) =	vsort.dscd.msk.f32 $0xffff, v11, v58;
	v58 =	vld [tilespmem:$0x1FF30]  }
0xd6: {  	v55 =	vsub.f32 $1.500000000e+00, v27;
	v48 =	vadd.s32 s4, v56;
	v52 =	vld [tilespmem:$0x1FFB0]  }
0xd7: {  	v33 =	vmul.f32 v42, v42;
	v5 =	vmul.f32 v5, v10  }
0xd8: {  	v23 =	vmovc v26;
	v59 =	vperm.xlane v7, v19;
	v2 =	vmul.f32 v55, v6;
	v55 =	vadd.f32 v35, v47;
	v47 =	vld [tilespmem:$0x1FFC0]  }
0xd9: {  	v18 =	vmovc v44;
	v44 =	vsub.f32 $1.500000000e+00, v54;
	v54 =	vperm.xlane v51, v62;
	v27 =	vmul.f32 v26, v23;
	s4 =	sadd.s32 $0x1, s30  }
0xda: {  	v63 =	vmovc v37;
	v19 =	vmovc v42;
	v3 =	vor.u32 s4, v56;
	v53 =	vadd.f32 v7, v59;
	v15 =	vmul.f32 v2, v58  }
0xdb: {  	v59 =	vadd.f32 v51, v54;
	v35 =	vmul.f32 $5.000000000e-01, v55;
	v5 =	vmul.f32 v5, v52;
	[tilespmem:v48+s22+$0x0] =	vst.idx.msk $0xff, v1  }
0xdc: {  	v7, v9, _ =	vpop (xrf1);
	v29 =	vshra.s32 v53, $0x1;
	v1 =	vmul.f32 v44, v8;
	v44 =	vshra.s32 v55, $0x1;
	[tilespmem:v31+s22+$0x0] =	vst.idx.msk $0xff, v15;
	v15 =	vld [tilespmem:$0x1FF40]  }
0xdd: {  	v37 =	vmul.f32 $5.000000000e-01, v53;
	v12, v13, _ =	vpop (xrf1);
	v10 =	vperm.xlane v59, v47;
	v6 =	vsub.s32 $0x5F3759DF, v44  }
0xde: {  	s4 =	sadd.s32 $0x3, s30;
	v41 =	vsub.s32 $0x5F3759DF, v29;
	[tilespmem:v48+s23+$0x0] =	vst.idx.msk $0xff, v34;
	v34 =	vperm.xlane v27, v22;
	v52 =	vmul.f32 v1, v43;
	v45, v46, _ =	vpop (xrf1)  }
0xdf: {  	v11 =	vadd.s32 s4, v56;
	v42 =	vmul.f32 v6, v35;
	v8 =	vmul.f32 v41, v37;
	[tilespmem:v3+s22+$0x0] =	vst.idx.msk $0xff, v0;
	v51, v50, _ =	vpop (xrf1)  }
0xe0: {  	v4 =	vadd.f32 v59, v10;
	v0 =	vsel vm0, v45, v51;
	v54 =	vsel vm0, v46, v50  }
0xe1: {  	v43 =	vmul.f32 v52, v1;
	v26, v55, _ =	vpop (xrf1);
	(xrf1) =	vsort.dscd.msk.f32 $0xffff, v0, v54;
	[tilespmem:v3+s23+$0x0] =	vst.idx.msk $0xff, v15;
	v15 =	vld [tilespmem:$0x1FF60]  }
0xe2: {  	v29 =	vmul.f32 $5.000000000e-01, v4;
	v46 =	vld [tilespmem:$0x1FF50];
	v0 =	vadd.f32 v27, v34;
	[tilespmem:v31+s23+$0x0] =	vst.idx.msk $0xff, v36;
	v31 =	vperm.xlane v33, v22;
	v44, v45, _ =	vpop (xrf1)  }
0xe3: {  	[tilespmem:$0x1FFB0] =	vst v19;
	v47 =	vsel vm0, v32, v44;
	v19 =	vsel vm0, v49, v45;
	v48, v27, _ =	vpop (xrf1);
	v49 =	vshra.s32 v4, $0x1  }
0xe4: {  	[tilespmem:v11+s22+$0x0] =	vst.idx.msk $0xff, v5;
	v10 =	vsel vm0, v26, v48;
	v51 =	vsel vm0, v55, v27;
	v55 =	vsub.s32 $0x5F3759DF, v49  }
0xe5: {  	(xrf1) =	vsort.dscd.msk.f32 $0xffff, v47, v19;
	v54, v52, _ =	vpop (xrf1);
	v26 =	vmul.f32 v6, v42;
	v44 =	vmul.f32 v55, v29  }
0xe6: {  	v2 =	vsub.f32 $1.500000000e+00, v43;
	v19 =	vsel vm0, v12, v54;
	v12, v27, _ =	vpop (xrf1);
	[tilespmem:v11+s23+$0x0] =	vst.idx.msk $0xff, v15;
	v15 =	vsel vm0, v13, v52  }
0xe7: {  	v50 =	vld [tilespmem:$0x1FF70];
	v31 =	vadd.f32 v33, v31;
	v59 =	vmov v46;
	v49 =	vmul.f32 v55, v44;
	v13, v43, _ =	vpop (xrf1);
	(xrf1) =	vsort.dscd.msk.f32 $0xffff, v19, v15  }
0xe8: {  	v36 =	vsub.f32 $1.500000000e+00, v26;
	v12 =	vsel vm0, v13, v12;
	v46, v47, _ =	vpop (xrf1);
	v26 =	vsel vm0, v43, v27;
	(xrf1) =	vsort.dscd.msk.f32 $0xffff, v10, v51  }
0xe9: {  	v8 =	vmul.f32 v41, v8;
	v51 =	vsub.f32 $1.500000000e+00, v49;
	(xrf1) =	vsort.dscd.msk.f32 $0xffff, v12, v26;
	v12 =	vld [tilespmem:$0x1FFC0]  }
0xea: {  	v45 =	vperm.xlane v0, v62;
	v13 =	vperm.xlane v31, v62  }
0xeb: {  	p0 =	slt.u32 s31, $0xF6;
	v48 =	vsub.f32 $1.500000000e+00, v8;
	v32 =	vmul.f32 v55, v51;
	v55 =	vld [tilespmem:$0x1FF80]  }
.Ltmp0:
0xec: {  	v58 =	vmov v50;
	v0 =	vadd.f32 v0, v45;
	v50 =	vadd.f32 v31, v13;
	(pc) =	sbr.rel @p0 .LBB2_2-.Ltmp0, $4  }
0xed: {  	[tilespmem:v39+s23+$0x0] =	vst.idx.msk $0xff, v21;
	v21 =	vmov v16;
	v33 =	vmul.f32 v41, v48;
	v41 =	vmul.f32 v2, v1  }
0xee: {  	v57 =	vmovc v22;
	v60 =	vmovc v30;
	v61 =	vmov v38;
	v52 =	vperm.xlane v50, v12;
	v54 =	vperm.xlane v0, v12  }
0xef: {  	s28 =	simm.s32 $0xFC;
	s31 =	sadd.s32 $0x6, s31;
	v53 =	vmovc v40;
	v43 =	vmul.f32 v6, v36;
	v4 =	vsel vm0, v46, v7;
	v5 =	vsel vm0, v47, v9  }
0xf0: {  	s1 =	sadd.s32 $0x300, s1;
	v16 =	vld [tilespmem:$0x1FF20];
	s30 =	smov.u32 s29;
	s29 =	smov.u32 s3;
	(xrf1) =	vsort.dscd.msk.f32 $0xffff, v4, v5;
	v26, v27, _ =	vpop (xrf1);
	v44 =	vand.u32 $0x1F80, v55;
	v34 =	vadd.f32 v50, v52;
	v36 =	vadd.f32 v0, v54  }
0xf1: {  	v0 =	vmul.f32 v33, v37;
	v7 =	vmul.f32 v43, v35  }
0xf2: {  	v49 =	vmul.f32 v32, v29;
	v1 =	vshra.s32 v36, $0x1;
	v2 =	vmul.f32 $5.000000000e-01, v36  }
0xf3: {  	v4 =	vmul.f32 $5.000000000e-01, v34;
	v6 =	vshra.s32 v34, $0x1;
	v39, v31, _ =	vpop (xrf1);
	v0 =	vmul.f32 v0, v33  }
0xf4: {  	v1 =	vsub.s32 $0x5F3759DF, v1;
	v7 =	vmul.f32 v7, v43;
	v3 =	vmul.f32 v39, v39  }
0xf5: {  	v6 =	vsub.s32 $0x5F3759DF, v6;
	v5 =	vmul.f32 v1, v2;
	v0 =	vsub.f32 $1.500000000e+00, v0  }
0xf6: {  	v9 =	vmul.f32 v6, v4;
	v7 =	vsub.f32 $1.500000000e+00, v7;
	v8 =	vperm.xlane v3, v57  }
0xf7: {  	v5 =	vmul.f32 v1, v5;
	v0 =	vmul.f32 v0, v33  }
0xf8: {  	v33, v15, _ =	vpop (xrf1);
	v52 =	vmul.f32 v7, v43;
	v3 =	vadd.f32 v3, v8;
	v8 =	vmul.f32 v6, v9  }
0xf9: {  	v5 =	vsub.f32 $1.500000000e+00, v5;
	v10 =	vmul.f32 v33, v33;
	v38, v34, _ =	vpop (xrf1);
	v54 =	vmul.f32 v0, v37  }
0xfa: {  	v13 =	vld [tilespmem:$0x1FFC0];
	v40, v36, _ =	vpop (xrf1);
	v55 =	vmul.f32 v52, v35;
	v9 =	vperm.xlane v3, v62  }
0xfb: {  	v1 =	vmul.f32 v1, v5;
	v50 =	vmul.f32 v40, v40  }
0xfc: {  	v8 =	vsub.f32 $1.500000000e+00, v8;
	v35 =	vmul.f32 v55, v52;
	v7 =	vmul.f32 v54, v0  }
0xfd: {  	v3 =	vadd.f32 v3, v9;
	v9 =	vmul.f32 v38, v38;
	v11 =	vmul.f32 v1, v2  }
0xfe: {  	v6 =	vmul.f32 v6, v8;
	v51 =	vperm.xlane v50, v57  }
0xff: {  	v35 =	vsub.f32 $1.500000000e+00, v35;
	v13 =	vperm.xlane v3, v13;
	v8 =	vmul.f32 v11, v1  }
0x100: {  	v7 =	vsub.f32 $1.500000000e+00, v7;
	v42, v37, _ =	vpop (xrf1);
	v19 =	vmul.f32 v6, v4;
	v30 =	vperm.xlane v9, v57  }
0x101: {  	v12 =	vmul.f32 v42, v42;
	v5 =	vmul.f32 v35, v52  }
0x102: {  	v0 =	vmul.f32 v7, v0;
	v3 =	vadd.f32 v3, v13;
	v8 =	vsub.f32 $1.500000000e+00, v8  }
0x103: {  	v13 =	vmul.f32 v19, v6;
	v9 =	vadd.f32 v9, v30;
	v30 =	vmul.f32 v26, v26  }
0x104: {  	v11 =	vperm.xlane v12, v57;
	v22 =	vshra.s32 v3, $0x1;
	v3 =	vmul.f32 $5.000000000e-01, v3  }
0x105: {  	v19 =	vld [tilespmem:$0x1FFA0];
	v5 =	vmul.f32 v5, v20;
	v13 =	vsub.f32 $1.500000000e+00, v13;
	v43 =	vsub.s32 $0x5F3759DF, v22  }
0x106: {  	v1 =	vmul.f32 v8, v1;
	v8 =	vmul.f32 v43, v3  }
0x107: {  	v6 =	vmul.f32 v13, v6;
	v13 =	vmul.f32 v49, v32  }
0x108: {  	v0 =	vmul.f32 v0, v18;
	v11 =	vadd.f32 v12, v11;
	v8 =	vmul.f32 v43, v8  }
0x109: {  	v55 =	vperm.xlane v9, v62;
	v2 =	vmul.f32 v1, v2;
	v13 =	vsub.f32 $1.500000000e+00, v13  }
0x10a: {  	v48 =	vperm.xlane v11, v62;
	v45 =	vmul.f32 v41, v19;
	v8 =	vsub.f32 $1.500000000e+00, v8  }
0x10b: {  	v2 =	vmul.f32 v2, v1;
	v52 =	vmul.f32 v13, v32  }
0x10c: {  	v22 =	vor.u32 v16, v14;
	v4 =	vmul.f32 v6, v4;
	v8 =	vmul.f32 v43, v8;
	v43 =	vld [tilespmem:$0x1FFC0]  }
0x10d: {  	v2 =	vsub.f32 $1.500000000e+00, v2;
	v13 =	vor.u32 v17, v44;
	v32 =	vld [tilespmem:$0x1FFC0];
	v17 =	vmul.f32 v52, v29  }
0x10e: {  	v11 =	vadd.f32 v11, v48;
	v48 =	vperm.xlane v10, v57;
	v4 =	vmul.f32 v4, v6  }
0x10f: {  	v9 =	vadd.f32 v9, v55;
	v1 =	vmul.f32 v2, v1;
	v2 =	vmul.f32 v17, v52  }
0x110: {  	v41 =	vadd.f32 v50, v51;
	v44 =	vperm.xlane v30, v57;
	v10 =	vadd.f32 v10, v48  }
0x111: {  	v46 =	vld [tilespmem:$0x1FFB0];
	v4 =	vsub.f32 $1.500000000e+00, v4;
	v2 =	vsub.f32 $1.500000000e+00, v2;
	v7 =	vperm.xlane v9, v43  }
0x112: {  	v47 =	vadd.f32 v30, v44;
	v54 =	vmul.f32 v8, v3;
	v35 =	vperm.xlane v11, v32  }
0x113: {  	v2 =	vmul.f32 v2, v52;
	v7 =	vadd.f32 v9, v7;
	v9 =	vperm.xlane v41, v62  }
0x114: {  	v51 =	vld [tilespmem:$0x1FFC0];
	v4 =	vmul.f32 v4, v6;
	v29 =	vmul.f32 v54, v8;
	v11 =	vadd.f32 v11, v35  }
0x115: {  	v2 =	vmul.f32 v2, v53;
	v53 =	vld [tilespmem:$0x1FFC0];
	v6 =	vadd.f32 v41, v9;
	v9 =	vperm.xlane v47, v62  }
0x116: {  	v1 =	vmul.f32 v1, v23;
	v4 =	vmul.f32 v4, v46;
	v14 =	vsub.f32 $1.500000000e+00, v29  }
0x117: {  	v52 =	vperm.xlane v10, v62;
	v50 =	vshra.s32 v11, $0x1;
	v9 =	vadd.f32 v47, v9;
	v47 =	vld [tilespmem:$0x1FFC0]  }
0x118: {  	v11 =	vmul.f32 $5.000000000e-01, v11;
	v8 =	vmul.f32 v14, v8;
	v12 =	vsub.s32 $0x5F3759DF, v50  }
0x119: {  	v49 =	vshra.s32 v7, $0x1;
	v7 =	vmul.f32 $5.000000000e-01, v7;
	v18 =	vperm.xlane v6, v51  }
0x11a: {  	v10 =	vadd.f32 v10, v52;
	v55 =	vsub.s32 $0x5F3759DF, v49;
	v54 =	vperm.xlane v9, v53  }
0x11b: {  	v30 =	vmul.f32 v12, v11;
	v32 =	vmul.f32 v55, v7;
	v6 =	vadd.f32 v6, v18  }
0x11c: {  	v52 =	vor.u32 s30, v56;
	v9 =	vadd.f32 v9, v54;
	v48 =	vperm.xlane v10, v47  }
0x11d: {  	v18 =	vmul.f32 v12, v30;
	v14 =	vmul.f32 v55, v32;
	v46 =	vshra.s32 v6, $0x1  }
0x11e: {  	v23 =	vshra.s32 v9, $0x1;
	v9 =	vmul.f32 $5.000000000e-01, v9;
	v10 =	vadd.f32 v10, v48  }
0x11f: {  	v6 =	vmul.f32 $5.000000000e-01, v6;
	v14 =	vsub.f32 $1.500000000e+00, v14;
	v20 =	vsub.s32 $0x5F3759DF, v23  }
0x120: {  	v50 =	vmul.f32 v20, v9;
	v51 =	vshra.s32 v10, $0x1;
	v10 =	vmul.f32 $5.000000000e-01, v10  }
0x121: {  	v18 =	vsub.f32 $1.500000000e+00, v18;
	v14 =	vmul.f32 v55, v14;
	v29 =	vsub.s32 $0x5F3759DF, v51  }
0x122: {  	v43 =	vsub.s32 $0x5F3759DF, v46;
	v19 =	vmul.f32 v20, v50;
	v53 =	vmul.f32 v29, v10  }
0x123: {  	v49 =	vmul.f32 v43, v6;
	v12 =	vmul.f32 v12, v18  }
0x124: {  	v55 =	vmul.f32 v14, v7;
	v54 =	vsub.f32 $1.500000000e+00, v19;
	v30 =	vmul.f32 v29, v53  }
0x125: {  	[tilespmem:v52+s22+$0x0] =	vst.idx.msk $0xff, v45;
	v23 =	vmul.f32 v43, v49;
	v48 =	vmul.f32 v12, v11  }
0x126: {  	s1 =	sadd.s32 $0x5, s30;
	v49 =	vmul.f32 v55, v14;
	v18 =	vmul.f32 v20, v54;
	v44 =	vsub.f32 $1.500000000e+00, v30;
	v30 =	vld [tilespmem:$0x1FF90]  }
0x127: {  	v35 =	vadd.s32 s1, v56;
	v3 =	vmul.f32 v8, v3;
	v23 =	vsub.f32 $1.500000000e+00, v23  }
0x128: {  	s31 =	sadd.s32 $0x1, s30;
	v50 =	vmul.f32 v48, v12;
	v20 =	vsub.f32 $1.500000000e+00, v49;
	v51 =	vmul.f32 v18, v9  }
0x129: {  	v3 =	vmul.f32 v3, v8;
	v45 =	vor.u32 s31, v56;
	v43 =	vmul.f32 v43, v23  }
0x12a: {  	s3 =	sadd.s32 $0x3, s30;
	v54 =	vsub.f32 $1.500000000e+00, v50;
	[tilespmem:v22+s22+$0x0] =	vst.idx.msk $0xff, v5;
	v47 =	vmul.f32 v20, v14;
	v55 =	vmul.f32 v51, v18  }
0x12b: {  	v32 =	vadd.s32 s3, v56;
	v53 =	vmul.f32 v43, v6;
	[tilespmem:v52+s23+$0x0] =	vst.idx.msk $0xff, v30;
	v52 =	vmul.f32 v29, v44  }
0x12c: {  	[tilespmem:v35+s22+$0x0] =	vst.idx.msk $0xff, v1;
	v7 =	vmul.f32 v47, v7;
	v44 =	vmul.f32 v54, v12;
	v46 =	vsub.f32 $1.500000000e+00, v55  }
0x12d: {  	v3 =	vsub.f32 $1.500000000e+00, v3;
	[tilespmem:v22+s23+$0x0] =	vst.idx.msk $0xff, v63;
	v29 =	vmul.f32 v53, v43;
	v63 =	vmul.f32 v52, v10  }
0x12e: {  	[tilespmem:v13+s22+$0x0] =	vst.idx.msk $0xff, v2;
	v11 =	vmul.f32 v44, v11;
	v5 =	vmul.f32 v46, v18  }
0x12f: {  	[tilespmem:v45+s22+$0x0] =	vst.idx.msk $0xff, v0;
	v30 =	vmul.f32 v3, v8;
	v48 =	vsub.f32 $1.500000000e+00, v29;
	v8 =	vmul.f32 v63, v52  }
0x130: {  	v50 =	vor.u32 s29, v56;
	[tilespmem:v32+s22+$0x0] =	vst.idx.msk $0xff, v4;
	v11 =	vmul.f32 v11, v44;
	v9 =	vmul.f32 v5, v9  }
0x131: {  	[tilespmem:v35+s23+$0x0] =	vst.idx.msk $0xff, v60;
	v7 =	vmul.f32 v7, v47;
	v12 =	vmul.f32 v48, v43;
	v8 =	vsub.f32 $1.500000000e+00, v8  }
0x132: {  	[tilespmem:v13+s23+$0x0] =	vst.idx.msk $0xff, v61;
	v1 =	vmul.f32 v30, v39;
	v11 =	vsub.f32 $1.500000000e+00, v11;
	v9 =	vmul.f32 v9, v5  }
0x133: {  	v51 =	vor.u32 v21, v24;
	v6 =	vmul.f32 v12, v6;
	v8 =	vmul.f32 v8, v52  }
0x134: {  	s4 =	sadd.s32 $0x5, s29;
	[tilespmem:v45+s23+$0x0] =	vst.idx.msk $0xff, v59;
	v7 =	vsub.f32 $1.500000000e+00, v7;
	v3 =	vmul.f32 v11, v44;
	v9 =	vsub.f32 $1.500000000e+00, v9  }
0x135: {  	s30 =	sadd.s32 $0x1, s29;
	[tilespmem:v32+s23+$0x0] =	vst.idx.msk $0xff, v58;
	v6 =	vmul.f32 v6, v12;
	v11 =	vadd.s32 s4, v56;
	v10 =	vmul.f32 v8, v10  }
0x136: {  	v55 =	vor.u32 s30, v56;
	[tilespmem:v50+s22+$0x0] =	vst.idx.msk $0xff, v1;
	v52 =	vmul.f32 v3, v42;
	v53 =	vmul.f32 v9, v5  }
0x137: {  	v49 =	vand.u32 $0x1F80, v28;
	v2 =	vmul.f32 v7, v47;
	[tilespmem:v50+s23+$0x0] =	vst.idx.msk $0xff, v31  }
0x138: {  	v6 =	vsub.f32 $1.500000000e+00, v6;
	v10 =	vmul.f32 v10, v8;
	[tilespmem:v51+s22+$0x0] =	vst.idx.msk $0xff, v52;
	v59 =	vmul.f32 v53, v26  }
0x139: {  	v0 =	vor.u32 v25, v49;
	v2 =	vmul.f32 v2, v38;
	[tilespmem:v51+s23+$0x0] =	vst.idx.msk $0xff, v37  }
0x13a: {  	s31 =	sadd.s32 $0x3, s29;
	v54 =	vmul.f32 v6, v12;
	v58 =	vsub.f32 $1.500000000e+00, v10;
	v9 =	vld [tilespmem:$0x1FFC0];
	[tilespmem:v11+s22+$0x0] =	vst.idx.msk $0xff, v59  }
0x13b: {  	v61 =	vadd.s32 s31, v56;
	[tilespmem:v55+s22+$0x0] =	vst.idx.msk $0xff, v2  }
0x13c: {  	v60 =	vmul.f32 v54, v40;
	[tilespmem:v11+s23+$0x0] =	vst.idx.msk $0xff, v27;
	v6 =	vmul.f32 v58, v8  }
0x13d: {  	[tilespmem:v55+s23+$0x0] =	vst.idx.msk $0xff, v34  }
0x13e: {  	[tilespmem:v0+s22+$0x0] =	vst.idx.msk $0xff, v60;
	v63 =	vmul.f32 v6, v33  }
0x13f: {  	[tilespmem:v0+s23+$0x0] =	vst.idx.msk $0xff, v36  }
0x140: {  	[tilespmem:v61+s22+$0x0] =	vst.idx.msk $0xff, v63  }
0x141: {  	[tilespmem:v61+s23+$0x0] =	vst.idx.msk $0xff, v15  }
0x142: {  	v48 =	vld [tilespmem:$0x1FFF0]  }
0x143: {  	v39 =	vld [tilespmem:$0x1FFD0]  }
0x144: {  	s1 =	simm.s32 $0x7E00;
	v38 =	vlaneseq.u32;
	v41 =	vld [tilespmem:$0x1FFE0]  }
.LBB2_4:
0x145: {  	v0 =	vld [tilespmem:s1+$0x0]  }
0x146: {  	v1 =	vld [tilespmem:s1+$0x10]  }
0x147: {  	v2 =	vld [tilespmem:s1+$0x20]  }
0x148: {  	v3 =	vld [tilespmem:s1+$0x30];
	_ =	sdelay $0x1  }
0x149: {  	(xrf1) =	vsort.dscd.msk.f32 $0xffff, v0, v38  }
0x14a: {  	(xrf1) =	vsort.ascd.msk.f32 $0xffff, v1, v48  }
0x14b: {  	(xrf1) =	vsort.dscd.msk.f32 $0xffff, v2, v39  }
0x14c: {  	(xrf1) =	vsort.ascd.msk.f32 $0xffff, v3, v41;
	_ =	sdelay $0xa  }
0x14d: {  	v0, v52, _ =	vpop (xrf1)  }
0x14e: {  	v53, v54, _ =	vpop (xrf1)  }
0x14f: {  	v4, v5, _ =	vpop (xrf1)  }
0x150: {  	v0 =	vsel vm0, v0, v53;
	v1 =	vsel vm0, v52, v54;
	v6, v7, _ =	vpop (xrf1)  }
0x151: {  	(xrf1) =	vsort.dscd.msk.f32 $0xffff, v0, v1;
	v55 =	vsel vm0, v4, v6;
	v58 =	vsel vm0, v5, v7  }
0x152: {  	(xrf1) =	vsort.ascd.msk.f32 $0xffff, v55, v58;
	_ =	sdelay $0xc  }
0x153: {  	v0, v1, _ =	vpop (xrf1)  }
0x154: {  	v2, v3, _ =	vpop (xrf1)  }
0x155: {  	v0 =	vsel vm0, v0, v2;
	v1 =	vsel vm0, v1, v3  }
0x156: {  	(xrf1) =	vsort.dscd.msk.f32 $0xffff, v0, v1;
	_ =	sdelay $0xd  }
0x157: {  	v0, v1, _ =	vpop (xrf1)  }
0x158: {  	v59 =	vmul.f32 v0, v0;
	_ =	sdelay $0x1  }
0x159: {  	v60 =	vperm.xlane v59, v57;
	_ =	sdelay $0x1  }
0x15a: {  	v2 =	vadd.f32 v59, v60;
	_ =	sdelay $0x1  }
0x15b: {  	v3 =	vperm.xlane v2, v62;
	_ =	sdelay $0x1  }
0x15c: {  	v2 =	vadd.f32 v2, v3;
	_ =	sdelay $0x1  }
0x15d: {  	v3 =	vperm.xlane v2, v9;
	_ =	sdelay $0x1  }
0x15e: {  	v2 =	vadd.f32 v2, v3;
	_ =	sdelay $0x1  }
0x15f: {  	v3 =	vshra.s32 v2, $0x1;
	v2 =	vmul.f32 $5.000000000e-01, v2  }
0x160: {  	v3 =	vsub.s32 $0x5F3759DF, v3  }
0x161: {  	v61 =	vmul.f32 v3, v2;
	_ =	sdelay $0x1  }
0x162: {  	v4 =	vmul.f32 v3, v61;
	_ =	sdelay $0x1  }
0x163: {  	v4 =	vsub.f32 $1.500000000e+00, v4;
	_ =	sdelay $0x1  }
0x164: {  	v3 =	vmul.f32 v3, v4;
	_ =	sdelay $0x1  }
0x165: {  	v4 =	vmul.f32 v3, v2;
	_ =	sdelay $0x1  }
0x166: {  	v4 =	vmul.f32 v4, v3;
	_ =	sdelay $0x1  }
0x167: {  	v4 =	vsub.f32 $1.500000000e+00, v4;
	_ =	sdelay $0x1  }
0x168: {  	v3 =	vmul.f32 v4, v3;
	_ =	sdelay $0x1  }
0x169: {  	v2 =	vmul.f32 v3, v2;
	_ =	sdelay $0x1  }
0x16a: {  	v2 =	vmul.f32 v2, v3;
	_ =	sdelay $0x1  }
0x16b: {  	v2 =	vsub.f32 $1.500000000e+00, v2  }
0x16c: {  	v63 =	vor.u32 s28, v56  }
0x16d: {  	p0 =	sne.s32 s28, $0xFF;
	v2 =	vmul.f32 v2, v3  }
.Ltmp1:
0x16e: {  	_ = 	snop;
	(pc) =	sbr.rel @p0 .LBB2_4-.Ltmp1, $3  }
0x16f: {  	v0 =	vmul.f32 v2, v0;
	_ =	sdelay $0x1  }
0x170: {  	[tilespmem:v63+s22+$0x0] =	vst.idx.msk $0xff, v0  }
0x171: {  	s1 =	sadd.s32 $0x80, s1;
	s28 =	sadd.s32 $0x1, s28;
	[tilespmem:v63+s23+$0x0] =	vst.idx.msk $0xff, v1  }
0x172: {  	s1 =	rddreg [dreg:$0x5]  }
0x173: {  	[hbm4b:s1+s24] =	stream.strided.scatter [tilespmem:s22], [sflag:$0x1], $0x100, s25, s24, $0x38;
	[tilespmem:$0x9000] =	vst v63  }
0x174: {  	_ = 	snop  }
0x175: {  	[hbm4b:s5+s24] =	stream.strided.scatter [tilespmem:s23], [sflag:$0x2], $0x100, s25, s24, $0x38;
	[tilespmem:$0x9000] =	vst v63  }
0x176: {  	s30 =	simm.s32 $0x8100  }
0x177: {  	[hbm4b:s6+s24] =	stream.strided.scatter [tilespmem:s30], [sflag:$0x1], $0x100, s25, s24, $0x38;
	[tilespmem:$0x9000] =	vst v63  }
0x178: {  	s31 =	simm.s32 $0x8900  }
0x179: {  	[hbm4b:s7+s24] =	stream.strided.scatter [tilespmem:s31], [sflag:$0x2], $0x100, s25, s24, $0x38;
	[tilespmem:$0x9000] =	vst v63  }
0x17a: {  	s3 =	simm.s32 $0x8200  }
0x17b: {  	[hbm4b:s8+s24] =	stream.strided.scatter [tilespmem:s3], [sflag:$0x1], $0x100, s25, s24, $0x38;
	[tilespmem:$0x9000] =	vst v63  }
0x17c: {  	s4 =	simm.s32 $0x8A00  }
0x17d: {  	[hbm4b:s9+s24] =	stream.strided.scatter [tilespmem:s4], [sflag:$0x2], $0x100, s25, s24, $0x38;
	[tilespmem:$0x9000] =	vst v63  }
0x17e: {  	s28 =	simm.s32 $0x8300  }
0x17f: {  	[hbm4b:s10+s24] =	stream.strided.scatter [tilespmem:s28], [sflag:$0x1], $0x100, s25, s24, $0x38;
	[tilespmem:$0x9000] =	vst v63  }
0x180: {  	s29 =	simm.s32 $0x8B00  }
0x181: {  	[hbm4b:s11+s24] =	stream.strided.scatter [tilespmem:s29], [sflag:$0x2], $0x100, s25, s24, $0x38;
	[tilespmem:$0x9000] =	vst v63  }
0x182: {  	s30 =	simm.s32 $0x8400  }
0x183: {  	[hbm4b:s12+s24] =	stream.strided.scatter [tilespmem:s30], [sflag:$0x1], $0x100, s25, s24, $0x38;
	[tilespmem:$0x9000] =	vst v63  }
0x184: {  	s31 =	simm.s32 $0x8C00  }
0x185: {  	[hbm4b:s13+s24] =	stream.strided.scatter [tilespmem:s31], [sflag:$0x2], $0x100, s25, s24, $0x38;
	[tilespmem:$0x9000] =	vst v63  }
0x186: {  	s3 =	simm.s32 $0x8500  }
0x187: {  	[hbm4b:s14+s24] =	stream.strided.scatter [tilespmem:s3], [sflag:$0x1], $0x100, s25, s24, $0x38;
	[tilespmem:$0x9000] =	vst v63  }
0x188: {  	s4 =	simm.s32 $0x8D00  }
0x189: {  	[hbm4b:s15+s24] =	stream.strided.scatter [tilespmem:s4], [sflag:$0x2], $0x100, s25, s24, $0x38;
	[tilespmem:$0x9000] =	vst v63  }
0x18a: {  	s28 =	simm.s32 $0x8600  }
0x18b: {  	[hbm4b:s16+s24] =	stream.strided.scatter [tilespmem:s28], [sflag:$0x1], $0x100, s25, s24, $0x38;
	[tilespmem:$0x9000] =	vst v63  }
0x18c: {  	s29 =	simm.s32 $0x8E00  }
0x18d: {  	[hbm4b:s17+s24] =	stream.strided.scatter [tilespmem:s29], [sflag:$0x2], $0x100, s25, s24, $0x38;
	[tilespmem:$0x9000] =	vst v63  }
0x18e: {  	s30 =	simm.s32 $0x8700  }
0x18f: {  	[hbm4b:s18+s24] =	stream.strided.scatter [tilespmem:s30], [sflag:$0x1], $0x100, s25, s24, $0x38;
	[tilespmem:$0x9000] =	vst v63  }
0x190: {  	s31 =	simm.s32 $0x8F00  }
0x191: {  	[hbm4b:s19+s24] =	stream.strided.scatter [tilespmem:s31], [sflag:$0x2], $0x100, s25, s24, $0x38;
	[tilespmem:$0x9000] =	vst v63  }
0x192: {  	_ =	swait.ge [sflag:s0], $0x100  }
0x193: {  	[sflag:s0] =	ssyncset.done $0x0  }
0x194: {  	[sflag:s0] =	ssyncadd.s32 $0xFFFFFF00  }
0x195: {  	_ =	swait.ge [sflag:s2], $0x100  }
0x196: {  	[sflag:s2] =	ssyncset.done $0x0  }
0x197: {  	[sflag:s2] =	ssyncadd.s32 $0xFFFFFF00  }
0x198: {  	_ =	swait.ge [sflag:s0], $0x100  }
0x199: {  	[sflag:s0] =	ssyncset.done $0x0  }
0x19a: {  	[sflag:s0] =	ssyncadd.s32 $0xFFFFFF00  }
0x19b: {  	_ =	swait.ge [sflag:s2], $0x100  }
0x19c: {  	[sflag:s2] =	ssyncset.done $0x0  }
0x19d: {  	[sflag:s2] =	ssyncadd.s32 $0xFFFFFF00  }
0x19e: {  	_ =	swait.ge [sflag:s0], $0x100  }
0x19f: {  	[sflag:s0] =	ssyncset.done $0x0  }
0x1a0: {  	[sflag:s0] =	ssyncadd.s32 $0xFFFFFF00  }
0x1a1: {  	_ =	swait.ge [sflag:s2], $0x100  }
0x1a2: {  	[sflag:s2] =	ssyncset.done $0x0  }
0x1a3: {  	[sflag:s2] =	ssyncadd.s32 $0xFFFFFF00  }
0x1a4: {  	_ =	swait.ge [sflag:s0], $0x100  }
0x1a5: {  	[sflag:s0] =	ssyncset.done $0x0  }
0x1a6: {  	[sflag:s0] =	ssyncadd.s32 $0xFFFFFF00  }
0x1a7: {  	_ =	swait.ge [sflag:s2], $0x100  }
0x1a8: {  	[sflag:s2] =	ssyncset.done $0x0  }
0x1a9: {  	[sflag:s2] =	ssyncadd.s32 $0xFFFFFF00  }
0x1aa: {  	_ =	swait.ge [sflag:s0], $0x100  }
0x1ab: {  	[sflag:s0] =	ssyncset.done $0x0  }
0x1ac: {  	[sflag:s0] =	ssyncadd.s32 $0xFFFFFF00  }
0x1ad: {  	_ =	swait.ge [sflag:s2], $0x100  }
0x1ae: {  	[sflag:s2] =	ssyncset.done $0x0  }
0x1af: {  	[sflag:s2] =	ssyncadd.s32 $0xFFFFFF00  }
0x1b0: {  	_ =	swait.ge [sflag:s0], $0x100  }
0x1b1: {  	[sflag:s0] =	ssyncset.done $0x0  }
0x1b2: {  	[sflag:s0] =	ssyncadd.s32 $0xFFFFFF00  }
0x1b3: {  	_ =	swait.ge [sflag:s2], $0x100  }
0x1b4: {  	[sflag:s2] =	ssyncset.done $0x0  }
0x1b5: {  	[sflag:s2] =	ssyncadd.s32 $0xFFFFFF00  }
0x1b6: {  	_ =	swait.ge [sflag:s0], $0x100  }
0x1b7: {  	[sflag:s0] =	ssyncset.done $0x0  }
0x1b8: {  	[sflag:s0] =	ssyncadd.s32 $0xFFFFFF00  }
0x1b9: {  	_ =	swait.ge [sflag:s2], $0x100  }
0x1ba: {  	[sflag:s2] =	ssyncset.done $0x0  }
0x1bb: {  	s26 =	sadd.s32 $0x1, s26;
	[sflag:s2] =	ssyncadd.s32 $0xFFFFFF00  }
0x1bc: {  	p0 =	sne.s32 s26, s20;
	_ =	swait.ge [sflag:s0], $0x100  }
.Ltmp2:
0x1bd: {  	[sflag:s0] =	ssyncset.done $0x0;
	(pc) =	sbr.rel @p0 .LBB2_1-.Ltmp2, $4  }
0x1be: {  	[sflag:s0] =	ssyncadd.s32 $0xFFFFFF00  }
0x1bf: {  	_ =	swait.ge [sflag:s2], $0x100  }
0x1c0: {  	[sflag:s2] =	ssyncset.done $0x0  }
0x1c1: {  	[sflag:s2] =	ssyncadd.s32 $0xFFFFFF00  }
0x1c2: {  	_ =	sfence.sel $0x180000  }
0x1c3: {  	[bflag:$0x0] =	sbarrier.arrive $0xFFFF  }
0x1c4: {  	_ =	strace $0x90000047  }
0x1c5: {  	s0 =	stileid.u32;
	[bflag:$0x2] =	sbarrier.arrive $0xFFFF  }
0x1c6: {  	p0 =	sne.s32 s0, $0x0;
	s0 =	rddreg [dreg:$0x3]  }
0x1c7: {  	s0 =	sadd.s32 @!p0 $0x100000, s0  }
0x1c8: {  	[sflag:s0] =	ssyncadd.tile.s32 @!p0 $0x1;
	_ =	shalt  }
.Lfunc_end2:
_tile_overlayer_lowered:
.L_overlay_start_2:
0x1c9: {  	(tag) =	ssettag $0x2  }
0x1ca: {  	s0 =	rddreg [dreg:$0x0];
	s2 =	stileid.u32  }
0x1cb: {  	s1 =	rddreg [dreg:$0x1];
	p0 =	sne.s32 s2, $0x0  }
0x1cc: {  	s3 =	rddreg [dreg:$0x2];
	[bflag:$0x3] =	sbarrier.arrive $0xFFFF;
	s2 =	simm.s32 @!p0 $0x1C03  }
0x1cd: {  	[timem:s3], [sflag:s2] =	dma.local @!p0 [hbm:s0], s1  }
0x1ce: {  	s0 =	simm.s32 @!p0 $0x3  }
0x1cf: {  	_ =	swait.ge @!p0 [sflag:s0], s1  }
0x1d0: {  	s1 =	ssub.s32 @!p0 $0x0, s1;
	[sflag:s0] =	ssyncset.done @!p0 $0x0  }
0x1d1: {  	[sflag:s0] =	ssyncadd.s32 @!p0 s1  }
0x1d2: {  	[bflag:$0x3] =	sbarrier.arrive $0xFFFF  }
0x1d3: {  	_ =	shalt  }

</sc_bundles>
